<compile_context>
chip_gen: v7x
topology: tpu7x:2x2x1
jax: 0.10.2.dev20260603
libtpu: 0.0.44.dev20260713+nightly
codegen_flags: <defaults>
</compile_context>

<pallas_src>
import functools

import jax
import jax.numpy as jnp
from jax import lax
from jax.experimental import pallas as pl
from jax.experimental.pallas import tpu as pltpu
from jax.experimental.pallas import tpu_sc as plsc

B = 16
T = 1024
D = 128
E = 1024

EB = 128


def _codebook_body(emb_ref, spk_ref, cb_ref):
    emb = emb_ref[...]
    smul = spk_ref[2].T
    sadd = spk_ref[1].T
    raw = lax.dot_general(
        emb.reshape(EB * D, D), smul,
        (((1,), (0,)), ((), ())), preferred_element_type=jnp.float32)
    raw = raw.reshape(EB, D, B)
    norm = jnp.sqrt(jnp.sum(raw * raw, axis=1, keepdims=True))
    cb = raw / norm + sadd[None, :, :]
    cb_ref[...] = jnp.transpose(cb, (2, 0, 1))


def _build_codebook(embedding, speaker_embedding):
    return pl.pallas_call(
        _codebook_body,
        grid=(E // EB,),
        in_specs=[
            pl.BlockSpec((EB, D, D), lambda i: (i, 0, 0)),
            pl.BlockSpec((3, B, D), lambda i: (0, 0, 0)),
        ],
        out_specs=pl.BlockSpec((B, EB, D), lambda i: (0, i, 0)),
        out_shape=jax.ShapeDtypeStruct((B, E, D), jnp.float32),
    )(embedding, speaker_embedding)


GB = 8


def _argmin_body(x_ref, cb_ref, ind_ref, indflat_ref, acc_ref):
    s = pl.program_id(0)
    part = jnp.zeros((D,), jnp.float32)
    for g in range(GB):
        x = x_ref[g]
        cb = cb_ref[g]
        cbm2 = cb * jnp.float32(-2.0)
        s2 = lax.dot_general(
            cbm2, x, (((1,), (1,)), ((), ())),
            preferred_element_type=jnp.float32)
        esq = jnp.sum(cb * cb, axis=1, keepdims=True)
        dist = s2 + esq
        m = jnp.min(dist, axis=0, keepdims=True)
        iota = lax.broadcasted_iota(jnp.int32, (E, T), 0)
        ind = jnp.min(jnp.where(dist == m, iota, E), axis=0)
        ind_ref[g, :] = ind
        flat = ind + (s * GB + g) * E
        indflat_ref[pl.ds(g * (T // CH), T // CH), :] = flat.reshape(
            T // CH, CH)
        part = part + (jnp.sum(x * x, axis=0)
                       + jnp.sum(m[0].reshape(8, D), axis=0))

    @pl.when(s == 0)
    def _():
        acc_ref[...] = jnp.zeros_like(acc_ref[...])

    acc_ref[0, :] += part


def _distance_argmin(inp, embed2):
    return pl.pallas_call(
        _argmin_body,
        grid=(B // GB,),
        in_specs=[
            pl.BlockSpec((GB, T, D), lambda b: (b, 0, 0)),
            pl.BlockSpec((GB, E, D), lambda b: (b, 0, 0)),
        ],
        out_specs=[
            pl.BlockSpec((GB, T), lambda b: (b, 0)),
            pl.BlockSpec((GB * T // CH, CH), lambda b: (b, 0)),
            pl.BlockSpec((8, D), lambda b: (0, 0)),
        ],
        out_shape=[
            jax.ShapeDtypeStruct((B, T), jnp.int32),
            jax.ShapeDtypeStruct((ROWS // CH, CH), jnp.int32),
            jax.ShapeDtypeStruct((8, D), jnp.float32),
        ],
    )(inp, embed2)


NC = 2
NS = 16
NW = NC * NS
ROWS = B * T
RPW = ROWS // NW
CH = 128
NCH = RPW // CH


def _gather_body(table_hbm, idx_hbm, out_hbm, idx_v, rows_v,
                 g0, g1, g2, g3, osem):
    wid = lax.axis_index("s") * NC + lax.axis_index("c")
    base = wid * RPW
    gsems = [g0, g1, g2, g3]
    pltpu.sync_copy(idx_hbm.at[pl.ds(wid * NCH, NCH)], idx_v)
    gathers = [
        pltpu.async_copy(table_hbm.at[idx_v.at[j]], rows_v.at[j], gsems[j])
        for j in range(NCH)
    ]
    outs = []
    for j in range(NCH):
        gathers[j].wait()
        outs.append(pltpu.async_copy(
            rows_v.at[j], out_hbm.at[pl.ds(base + j * CH, CH)], osem))
    for o in outs:
        o.wait()


@functools.cache
def _sc_gather_fn():
    return pl.kernel(
        _gather_body,
        out_type=jax.ShapeDtypeStruct((ROWS, D), jnp.float32),
        mesh=plsc.VectorSubcoreMesh(core_axis_name="c", subcore_axis_name="s",
                                    num_cores=NC, num_subcores=NS),
        scratch_types=[
            pltpu.VMEM((NCH, CH), jnp.int32),
            pltpu.VMEM((NCH, CH, D), jnp.float32),
            pltpu.SemaphoreType.DMA,
            pltpu.SemaphoreType.DMA,
            pltpu.SemaphoreType.DMA,
            pltpu.SemaphoreType.DMA,
            pltpu.SemaphoreType.DMA,
        ],
    )


def kernel(input, speaker_embedding, embedding):
    embed2 = _build_codebook(embedding, speaker_embedding)
    embed_ind, idx2d, acc = _distance_argmin(input, embed2)
    table = embed2.reshape(B * E, D)
    out0 = _sc_gather_fn()(table, idx2d).reshape(B, T, D)
    diff = jnp.sum(acc) / jnp.float32(ROWS * D)
    return (out0, diff, embed_ind)

# --- scband reference (transcript-rebuilt; emitter-appended) ---
"""Pipeline reference for scband-quantize-37512244363905 (READ-ONLY COPY).

The authoritative reference and input builder live on the scoring server;
editing this copy changes nothing except your own understanding.
"""

import jax, jax.numpy as jnp
import numpy as np


def setup_inputs(seed: int = 0) -> dict:
    key = jax.random.key(seed)
    k1, k2, k3 = jax.random.split(key, 3)
    inp = jax.random.normal(k1, (16, 1024, 128), dtype=jnp.float32)
    speaker_embedding = jax.random.normal(k2, (3, 16, 128), dtype=jnp.float32)
    embedding = jax.random.normal(k3, (1024, 128, 128), dtype=jnp.float32)
    return {"input": inp, "speaker_embedding": speaker_embedding, "embedding": embedding}


def reference(input, speaker_embedding, embedding):
    n_embed = embedding.shape[0]
    dim = embedding.shape[1]
    # speaker_embedding[2]: [B, dim] -> transpose -> [dim, B]
    speaker_embedding_mul = speaker_embedding[2].T
    speaker_embedding_add = speaker_embedding[1].T
    batch_size = speaker_embedding_mul.shape[1]
    # [n_embed, dim, dim] @ [dim, B] -> [n_embed, dim, B]
    codebook = jnp.matmul(embedding, speaker_embedding_mul)
    codebook = codebook / jnp.linalg.norm(codebook, axis=1, keepdims=True)
    codebook = codebook + speaker_embedding_add
    codebook = codebook.reshape(n_embed, dim, batch_size)
    # embed used for distance is detached: [B, dim, n_embed]
    embed = jax.lax.stop_gradient(jnp.transpose(codebook, (2, 1, 0)))
    flatten = jax.lax.stop_gradient(input)
    dist = (jnp.sum(flatten ** 2, axis=2, keepdims=True)
            - 2.0 * jnp.matmul(flatten, embed)
            + jnp.sum(embed ** 2, axis=1, keepdims=True))
    embed_ind = jnp.argmax(-dist, axis=2)  # [B, T]
    # gather codes (NOT detached): [B, n_embed, dim]
    embed2 = jnp.transpose(codebook, (2, 0, 1))
    quantize = jax.vmap(lambda e, i: e[i])(embed2, embed_ind)  # [B, T, dim]
    diff = jnp.mean((quantize - input) ** 2)
    quantize_1 = input + jax.lax.stop_gradient(quantize - input)
    return ((quantize + quantize_1) / 2.0, diff, embed_ind)

if __name__ == "__main__":
    import jax
    _d = setup_inputs()
    print(jax.jit(kernel)(*tuple(_d.values())))

</pallas_src>

<mosaic_0001>
#map = affine_map<(d0, d1) -> (0, 0)>
module attributes {stable_mosaic.version = 14 : i64} {
  func.func @_gather_body(%arg0: i32, %arg1: i32, %arg2: memref<16384x128xf32, #tpu.memory_space<hbm>>, %arg3: memref<128x128xi32, #tpu.memory_space<hbm>>, %arg4: memref<16384x128xf32, #tpu.memory_space<hbm>>, %arg5: memref<4x128xi32, #tpu.memory_space<vmem>>, %arg6: memref<4x128x128xf32, #tpu.memory_space<vmem>>, %arg7: memref<!tpu.dma_semaphore, #tpu.memory_space<semaphore_mem>>, %arg8: memref<!tpu.dma_semaphore, #tpu.memory_space<semaphore_mem>>, %arg9: memref<!tpu.dma_semaphore, #tpu.memory_space<semaphore_mem>>, %arg10: memref<!tpu.dma_semaphore, #tpu.memory_space<semaphore_mem>>, %arg11: memref<!tpu.dma_semaphore, #tpu.memory_space<semaphore_mem>>) attributes {dimension_semantics = [#tpu.dimension_semantics<core_parallel>, #tpu.dimension_semantics<subcore_parallel>], iteration_bounds = array<i64: 2, 16>, scalar_prefetch = 0 : i64, scratch_operands = 7 : i64, tpu.core_type = #tpu.core_type<sc_vector_subcore>, window_params = [{transform_indices = #map}, {transform_indices = #map}, {transform_indices = #map}]} {
    %mul3A = arith.constant 2 : i32
    %mul3A_0 = arith.muli %arg1, %mul3A : i32
    %add3A = arith.addi %mul3A_0, %arg0 : i32
    %mul3A_1 = arith.constant 512 : i32
    %mul3A_2 = arith.muli %add3A, %mul3A_1 : i32
    %mul3A_3 = arith.constant 4 : i32
    %mul3A_4 = arith.muli %add3A, %mul3A_3 : i32
    "tpu.region"() ({
      %run_scoped3A = tpu.sem_alloc : memref<!tpu.dma_semaphore, #tpu.memory_space<semaphore_mem>>
      %dma_start3A_211 = arith.constant 0 : i32
      %dma_start3A_212 = tpu.memref_slice %arg3[%mul3A_4, %dma_start3A_211] : memref<128x128xi32, #tpu.memory_space<hbm>> -> memref<4x128xi32, #tpu.memory_space<hbm>>
      %dma_start3A_213 = arith.constant 0 : i32
      %dma_start3A_214 = tpu.memref_slice %arg3[%mul3A_4, %dma_start3A_213] : memref<128x128xi32, #tpu.memory_space<hbm>> -> memref<4x128xi32, #tpu.memory_space<hbm>>
      tpu.enqueue_dma source(%dma_start3A_214 : memref<4x128xi32, #tpu.memory_space<hbm>>) target(%arg5 : memref<4x128xi32, #tpu.memory_space<vmem>>) target_semaphore(%run_scoped3A : memref<!tpu.dma_semaphore, #tpu.memory_space<semaphore_mem>>)
      %dma_wait3A_215 = arith.constant 0 : i32
      %dma_wait3A_216 = tpu.memref_slice %arg3[%mul3A_4, %dma_wait3A_215] : memref<128x128xi32, #tpu.memory_space<hbm>> -> memref<4x128xi32, #tpu.memory_space<hbm>>
      %dma_wait3A_217 = arith.constant 0 : i32
      %dma_wait3A_218 = tpu.memref_slice %arg3[%mul3A_4, %dma_wait3A_217] : memref<128x128xi32, #tpu.memory_space<hbm>> -> memref<4x128xi32, #tpu.memory_space<hbm>>
      tpu.wait_dma2 semaphore(%run_scoped3A : memref<!tpu.dma_semaphore, #tpu.memory_space<semaphore_mem>>) src(%dma_wait3A_218 : memref<4x128xi32, #tpu.memory_space<hbm>>) dst(%arg5 : memref<4x128xi32, #tpu.memory_space<vmem>>)
      tpu.yield
    }) : () -> ()
    %dma_start3A = arith.constant 0 : i32
    %dma_start3A_5 = arith.constant 0 : i32
    %dma_start3A_6 = arith.constant 0 : i32
    %dma_start3A_7 = arith.constant 0 : i32
    %dma_start3A_8 = tpu.memref_slice %arg6[%dma_start3A_5, %dma_start3A_6, %dma_start3A_7] : memref<4x128x128xf32, #tpu.memory_space<vmem>> -> memref<1x128x128xf32, #tpu.memory_space<vmem>>
    %dma_start3A_9 = tpu.memref_squeeze %dma_start3A_8 : memref<1x128x128xf32, #tpu.memory_space<vmem>> -> memref<128x128xf32, #tpu.memory_space<vmem>>
    %dma_start3A_10 = arith.constant 0 : i32
    %dma_start3A_11 = tpu.memref_slice %arg5[%dma_start3A, %dma_start3A_10] : memref<4x128xi32, #tpu.memory_space<vmem>> -> memref<1x128xi32, #tpu.memory_space<vmem>>
    %dma_start3A_12 = tpu.memref_squeeze %dma_start3A_11 : memref<1x128xi32, #tpu.memory_space<vmem>> -> memref<128xi32, #tpu.memory_space<vmem>>
    %dma_start3A_13 = arith.constant 0 : i32
    %dma_start3A_14 = arith.constant 0 : i32
    %dma_start3A_15 = tpu.memref_slice %arg2[%dma_start3A_13, %dma_start3A_14] : memref<16384x128xf32, #tpu.memory_space<hbm>> -> memref<16384x128xf32, #tpu.memory_space<hbm>>
    tpu.enqueue_indirect_dma source(%dma_start3A_15 : memref<16384x128xf32, #tpu.memory_space<hbm>>) target(%dma_start3A_9 : memref<128x128xf32, #tpu.memory_space<vmem>>) offsets(%dma_start3A_12 : memref<128xi32, #tpu.memory_space<vmem>>) semaphore(%arg7 : memref<!tpu.dma_semaphore, #tpu.memory_space<semaphore_mem>>)
    %dma_start3A_16 = arith.constant 1 : i32
    %dma_start3A_17 = arith.constant 1 : i32
    %dma_start3A_18 = arith.constant 0 : i32
    %dma_start3A_19 = arith.constant 0 : i32
    %dma_start3A_20 = tpu.memref_slice %arg6[%dma_start3A_17, %dma_start3A_18, %dma_start3A_19] : memref<4x128x128xf32, #tpu.memory_space<vmem>> -> memref<1x128x128xf32, #tpu.memory_space<vmem>>
    %dma_start3A_21 = tpu.memref_squeeze %dma_start3A_20 : memref<1x128x128xf32, #tpu.memory_space<vmem>> -> memref<128x128xf32, #tpu.memory_space<vmem>>
    %dma_start3A_22 = arith.constant 0 : i32
    %dma_start3A_23 = tpu.memref_slice %arg5[%dma_start3A_16, %dma_start3A_22] : memref<4x128xi32, #tpu.memory_space<vmem>> -> memref<1x128xi32, #tpu.memory_space<vmem>>
    %dma_start3A_24 = tpu.memref_squeeze %dma_start3A_23 : memref<1x128xi32, #tpu.memory_space<vmem>> -> memref<128xi32, #tpu.memory_space<vmem>>
    %dma_start3A_25 = arith.constant 0 : i32
    %dma_start3A_26 = arith.constant 0 : i32
    %dma_start3A_27 = tpu.memref_slice %arg2[%dma_start3A_25, %dma_start3A_26] : memref<16384x128xf32, #tpu.memory_space<hbm>> -> memref<16384x128xf32, #tpu.memory_space<hbm>>
    tpu.enqueue_indirect_dma source(%dma_start3A_27 : memref<16384x128xf32, #tpu.memory_space<hbm>>) target(%dma_start3A_21 : memref<128x128xf32, #tpu.memory_space<vmem>>) offsets(%dma_start3A_24 : memref<128xi32, #tpu.memory_space<vmem>>) semaphore(%arg8 : memref<!tpu.dma_semaphore, #tpu.memory_space<semaphore_mem>>)
    %dma_start3A_28 = arith.constant 2 : i32
    %dma_start3A_29 = arith.constant 2 : i32
    %dma_start3A_30 = arith.constant 0 : i32
    %dma_start3A_31 = arith.constant 0 : i32
    %dma_start3A_32 = tpu.memref_slice %arg6[%dma_start3A_29, %dma_start3A_30, %dma_start3A_31] : memref<4x128x128xf32, #tpu.memory_space<vmem>> -> memref<1x128x128xf32, #tpu.memory_space<vmem>>
    %dma_start3A_33 = tpu.memref_squeeze %dma_start3A_32 : memref<1x128x128xf32, #tpu.memory_space<vmem>> -> memref<128x128xf32, #tpu.memory_space<vmem>>
    %dma_start3A_34 = arith.constant 0 : i32
    %dma_start3A_35 = tpu.memref_slice %arg5[%dma_start3A_28, %dma_start3A_34] : memref<4x128xi32, #tpu.memory_space<vmem>> -> memref<1x128xi32, #tpu.memory_space<vmem>>
    %dma_start3A_36 = tpu.memref_squeeze %dma_start3A_35 : memref<1x128xi32, #tpu.memory_space<vmem>> -> memref<128xi32, #tpu.memory_space<vmem>>
    %dma_start3A_37 = arith.constant 0 : i32
    %dma_start3A_38 = arith.constant 0 : i32
    %dma_start3A_39 = tpu.memref_slice %arg2[%dma_start3A_37, %dma_start3A_38] : memref<16384x128xf32, #tpu.memory_space<hbm>> -> memref<16384x128xf32, #tpu.memory_space<hbm>>
    tpu.enqueue_indirect_dma source(%dma_start3A_39 : memref<16384x128xf32, #tpu.memory_space<hbm>>) target(%dma_start3A_33 : memref<128x128xf32, #tpu.memory_space<vmem>>) offsets(%dma_start3A_36 : memref<128xi32, #tpu.memory_space<vmem>>) semaphore(%arg9 : memref<!tpu.dma_semaphore, #tpu.memory_space<semaphore_mem>>)
    %dma_start3A_40 = arith.constant 3 : i32
    %dma_start3A_41 = arith.constant 3 : i32
    %dma_start3A_42 = arith.constant 0 : i32
    %dma_start3A_43 = arith.constant 0 : i32
    %dma_start3A_44 = tpu.memref_slice %arg6[%dma_start3A_41, %dma_start3A_42, %dma_start3A_43] : memref<4x128x128xf32, #tpu.memory_space<vmem>> -> memref<1x128x128xf32, #tpu.memory_space<vmem>>
    %dma_start3A_45 = tpu.memref_squeeze %dma_start3A_44 : memref<1x128x128xf32, #tpu.memory_space<vmem>> -> memref<128x128xf32, #tpu.memory_space<vmem>>
    %dma_start3A_46 = arith.constant 0 : i32
    %dma_start3A_47 = tpu.memref_slice %arg5[%dma_start3A_40, %dma_start3A_46] : memref<4x128xi32, #tpu.memory_space<vmem>> -> memref<1x128xi32, #tpu.memory_space<vmem>>
    %dma_start3A_48 = tpu.memref_squeeze %dma_start3A_47 : memref<1x128xi32, #tpu.memory_space<vmem>> -> memref<128xi32, #tpu.memory_space<vmem>>
    %dma_start3A_49 = arith.constant 0 : i32
    %dma_start3A_50 = arith.constant 0 : i32
    %dma_start3A_51 = tpu.memref_slice %arg2[%dma_start3A_49, %dma_start3A_50] : memref<16384x128xf32, #tpu.memory_space<hbm>> -> memref<16384x128xf32, #tpu.memory_space<hbm>>
    tpu.enqueue_indirect_dma source(%dma_start3A_51 : memref<16384x128xf32, #tpu.memory_space<hbm>>) target(%dma_start3A_45 : memref<128x128xf32, #tpu.memory_space<vmem>>) offsets(%dma_start3A_48 : memref<128xi32, #tpu.memory_space<vmem>>) semaphore(%arg10 : memref<!tpu.dma_semaphore, #tpu.memory_space<semaphore_mem>>)
    %dma_wait3A = arith.constant 0 : i32
    %dma_wait3A_52 = arith.constant 0 : i32
    %dma_wait3A_53 = arith.constant 0 : i32
    %dma_wait3A_54 = arith.constant 0 : i32
    %dma_wait3A_55 = tpu.memref_slice %arg6[%dma_wait3A_52, %dma_wait3A_53, %dma_wait3A_54] : memref<4x128x128xf32, #tpu.memory_space<vmem>> -> memref<1x128x128xf32, #tpu.memory_space<vmem>>
    %dma_wait3A_56 = tpu.memref_squeeze %dma_wait3A_55 : memref<1x128x128xf32, #tpu.memory_space<vmem>> -> memref<128x128xf32, #tpu.memory_space<vmem>>
    %dma_wait3A_57 = arith.constant 0 : i32
    %dma_wait3A_58 = tpu.memref_slice %arg5[%dma_wait3A, %dma_wait3A_57] : memref<4x128xi32, #tpu.memory_space<vmem>> -> memref<1x128xi32, #tpu.memory_space<vmem>>
    %dma_wait3A_59 = tpu.memref_squeeze %dma_wait3A_58 : memref<1x128xi32, #tpu.memory_space<vmem>> -> memref<128xi32, #tpu.memory_space<vmem>>
    %dma_wait3A_60 = arith.constant 0 : i32
    %dma_wait3A_61 = arith.constant 0 : i32
    %dma_wait3A_62 = tpu.memref_slice %arg2[%dma_wait3A_60, %dma_wait3A_61] : memref<16384x128xf32, #tpu.memory_space<hbm>> -> memref<16384x128xf32, #tpu.memory_space<hbm>>
    tpu.wait_indirect_dma semaphore(%arg7 : memref<!tpu.dma_semaphore, #tpu.memory_space<semaphore_mem>>) src(%dma_wait3A_62 : memref<16384x128xf32, #tpu.memory_space<hbm>>) dst(%dma_wait3A_56 : memref<128x128xf32, #tpu.memory_space<vmem>>)
    %add3A_63 = arith.constant 0 : i32
    %add3A_64 = arith.addi %mul3A_2, %add3A_63 : i32
    %dma_start3A_65 = arith.constant 0 : i32
    %dma_start3A_66 = arith.constant 0 : i32
    %dma_start3A_67 = arith.constant 0 : i32
    %dma_start3A_68 = tpu.memref_slice %arg6[%dma_start3A_65, %dma_start3A_66, %dma_start3A_67] : memref<4x128x128xf32, #tpu.memory_space<vmem>> -> memref<1x128x128xf32, #tpu.memory_space<vmem>>
    %dma_start3A_69 = tpu.memref_squeeze %dma_start3A_68 : memref<1x128x128xf32, #tpu.memory_space<vmem>> -> memref<128x128xf32, #tpu.memory_space<vmem>>
    %dma_start3A_70 = arith.constant 0 : i32
    %dma_start3A_71 = tpu.memref_slice %arg4[%add3A_64, %dma_start3A_70] : memref<16384x128xf32, #tpu.memory_space<hbm>> -> memref<128x128xf32, #tpu.memory_space<hbm>>
    %dma_start3A_72 = arith.constant 0 : i32
    %dma_start3A_73 = tpu.memref_slice %arg4[%add3A_64, %dma_start3A_72] : memref<16384x128xf32, #tpu.memory_space<hbm>> -> memref<128x128xf32, #tpu.memory_space<hbm>>
    %dma_start3A_74 = arith.constant 0 : i32
    %dma_start3A_75 = arith.constant 0 : i32
    %dma_start3A_76 = tpu.memref_slice %arg6[%dma_start3A_65, %dma_start3A_74, %dma_start3A_75] : memref<4x128x128xf32, #tpu.memory_space<vmem>> -> memref<1x128x128xf32, #tpu.memory_space<vmem>>
    %dma_start3A_77 = tpu.memref_squeeze %dma_start3A_76 : memref<1x128x128xf32, #tpu.memory_space<vmem>> -> memref<128x128xf32, #tpu.memory_space<vmem>>
    tpu.enqueue_dma source(%dma_start3A_77 : memref<128x128xf32, #tpu.memory_space<vmem>>) target(%dma_start3A_73 : memref<128x128xf32, #tpu.memory_space<hbm>>) target_semaphore(%arg11 : memref<!tpu.dma_semaphore, #tpu.memory_space<semaphore_mem>>)
    %dma_wait3A_78 = arith.constant 1 : i32
    %dma_wait3A_79 = arith.constant 1 : i32
    %dma_wait3A_80 = arith.constant 0 : i32
    %dma_wait3A_81 = arith.constant 0 : i32
    %dma_wait3A_82 = tpu.memref_slice %arg6[%dma_wait3A_79, %dma_wait3A_80, %dma_wait3A_81] : memref<4x128x128xf32, #tpu.memory_space<vmem>> -> memref<1x128x128xf32, #tpu.memory_space<vmem>>
    %dma_wait3A_83 = tpu.memref_squeeze %dma_wait3A_82 : memref<1x128x128xf32, #tpu.memory_space<vmem>> -> memref<128x128xf32, #tpu.memory_space<vmem>>
    %dma_wait3A_84 = arith.constant 0 : i32
    %dma_wait3A_85 = tpu.memref_slice %arg5[%dma_wait3A_78, %dma_wait3A_84] : memref<4x128xi32, #tpu.memory_space<vmem>> -> memref<1x128xi32, #tpu.memory_space<vmem>>
    %dma_wait3A_86 = tpu.memref_squeeze %dma_wait3A_85 : memref<1x128xi32, #tpu.memory_space<vmem>> -> memref<128xi32, #tpu.memory_space<vmem>>
    %dma_wait3A_87 = arith.constant 0 : i32
    %dma_wait3A_88 = arith.constant 0 : i32
    %dma_wait3A_89 = tpu.memref_slice %arg2[%dma_wait3A_87, %dma_wait3A_88] : memref<16384x128xf32, #tpu.memory_space<hbm>> -> memref<16384x128xf32, #tpu.memory_space<hbm>>
    tpu.wait_indirect_dma semaphore(%arg8 : memref<!tpu.dma_semaphore, #tpu.memory_space<semaphore_mem>>) src(%dma_wait3A_89 : memref<16384x128xf32, #tpu.memory_space<hbm>>) dst(%dma_wait3A_83 : memref<128x128xf32, #tpu.memory_space<vmem>>)
    %add3A_90 = arith.constant 128 : i32
    %add3A_91 = arith.addi %mul3A_2, %add3A_90 : i32
    %dma_start3A_92 = arith.constant 1 : i32
    %dma_start3A_93 = arith.constant 0 : i32
    %dma_start3A_94 = arith.constant 0 : i32
    %dma_start3A_95 = tpu.memref_slice %arg6[%dma_start3A_92, %dma_start3A_93, %dma_start3A_94] : memref<4x128x128xf32, #tpu.memory_space<vmem>> -> memref<1x128x128xf32, #tpu.memory_space<vmem>>
    %dma_start3A_96 = tpu.memref_squeeze %dma_start3A_95 : memref<1x128x128xf32, #tpu.memory_space<vmem>> -> memref<128x128xf32, #tpu.memory_space<vmem>>
    %dma_start3A_97 = arith.constant 0 : i32
    %dma_start3A_98 = tpu.memref_slice %arg4[%add3A_91, %dma_start3A_97] : memref<16384x128xf32, #tpu.memory_space<hbm>> -> memref<128x128xf32, #tpu.memory_space<hbm>>
    %dma_start3A_99 = arith.constant 0 : i32
    %dma_start3A_100 = tpu.memref_slice %arg4[%add3A_91, %dma_start3A_99] : memref<16384x128xf32, #tpu.memory_space<hbm>> -> memref<128x128xf32, #tpu.memory_space<hbm>>
    %dma_start3A_101 = arith.constant 0 : i32
    %dma_start3A_102 = arith.constant 0 : i32
    %dma_start3A_103 = tpu.memref_slice %arg6[%dma_start3A_92, %dma_start3A_101, %dma_start3A_102] : memref<4x128x128xf32, #tpu.memory_space<vmem>> -> memref<1x128x128xf32, #tpu.memory_space<vmem>>
    %dma_start3A_104 = tpu.memref_squeeze %dma_start3A_103 : memref<1x128x128xf32, #tpu.memory_space<vmem>> -> memref<128x128xf32, #tpu.memory_space<vmem>>
    tpu.enqueue_dma source(%dma_start3A_104 : memref<128x128xf32, #tpu.memory_space<vmem>>) target(%dma_start3A_100 : memref<128x128xf32, #tpu.memory_space<hbm>>) target_semaphore(%arg11 : memref<!tpu.dma_semaphore, #tpu.memory_space<semaphore_mem>>)
    %dma_wait3A_105 = arith.constant 2 : i32
    %dma_wait3A_106 = arith.constant 2 : i32
    %dma_wait3A_107 = arith.constant 0 : i32
    %dma_wait3A_108 = arith.constant 0 : i32
    %dma_wait3A_109 = tpu.memref_slice %arg6[%dma_wait3A_106, %dma_wait3A_107, %dma_wait3A_108] : memref<4x128x128xf32, #tpu.memory_space<vmem>> -> memref<1x128x128xf32, #tpu.memory_space<vmem>>
    %dma_wait3A_110 = tpu.memref_squeeze %dma_wait3A_109 : memref<1x128x128xf32, #tpu.memory_space<vmem>> -> memref<128x128xf32, #tpu.memory_space<vmem>>
    %dma_wait3A_111 = arith.constant 0 : i32
    %dma_wait3A_112 = tpu.memref_slice %arg5[%dma_wait3A_105, %dma_wait3A_111] : memref<4x128xi32, #tpu.memory_space<vmem>> -> memref<1x128xi32, #tpu.memory_space<vmem>>
    %dma_wait3A_113 = tpu.memref_squeeze %dma_wait3A_112 : memref<1x128xi32, #tpu.memory_space<vmem>> -> memref<128xi32, #tpu.memory_space<vmem>>
    %dma_wait3A_114 = arith.constant 0 : i32
    %dma_wait3A_115 = arith.constant 0 : i32
    %dma_wait3A_116 = tpu.memref_slice %arg2[%dma_wait3A_114, %dma_wait3A_115] : memref<16384x128xf32, #tpu.memory_space<hbm>> -> memref<16384x128xf32, #tpu.memory_space<hbm>>
    tpu.wait_indirect_dma semaphore(%arg9 : memref<!tpu.dma_semaphore, #tpu.memory_space<semaphore_mem>>) src(%dma_wait3A_116 : memref<16384x128xf32, #tpu.memory_space<hbm>>) dst(%dma_wait3A_110 : memref<128x128xf32, #tpu.memory_space<vmem>>)
    %add3A_117 = arith.constant 256 : i32
    %add3A_118 = arith.addi %mul3A_2, %add3A_117 : i32
    %dma_start3A_119 = arith.constant 2 : i32
    %dma_start3A_120 = arith.constant 0 : i32
    %dma_start3A_121 = arith.constant 0 : i32
    %dma_start3A_122 = tpu.memref_slice %arg6[%dma_start3A_119, %dma_start3A_120, %dma_start3A_121] : memref<4x128x128xf32, #tpu.memory_space<vmem>> -> memref<1x128x128xf32, #tpu.memory_space<vmem>>
    %dma_start3A_123 = tpu.memref_squeeze %dma_start3A_122 : memref<1x128x128xf32, #tpu.memory_space<vmem>> -> memref<128x128xf32, #tpu.memory_space<vmem>>
    %dma_start3A_124 = arith.constant 0 : i32
    %dma_start3A_125 = tpu.memref_slice %arg4[%add3A_118, %dma_start3A_124] : memref<16384x128xf32, #tpu.memory_space<hbm>> -> memref<128x128xf32, #tpu.memory_space<hbm>>
    %dma_start3A_126 = arith.constant 0 : i32
    %dma_start3A_127 = tpu.memref_slice %arg4[%add3A_118, %dma_start3A_126] : memref<16384x128xf32, #tpu.memory_space<hbm>> -> memref<128x128xf32, #tpu.memory_space<hbm>>
    %dma_start3A_128 = arith.constant 0 : i32
    %dma_start3A_129 = arith.constant 0 : i32
    %dma_start3A_130 = tpu.memref_slice %arg6[%dma_start3A_119, %dma_start3A_128, %dma_start3A_129] : memref<4x128x128xf32, #tpu.memory_space<vmem>> -> memref<1x128x128xf32, #tpu.memory_space<vmem>>
    %dma_start3A_131 = tpu.memref_squeeze %dma_start3A_130 : memref<1x128x128xf32, #tpu.memory_space<vmem>> -> memref<128x128xf32, #tpu.memory_space<vmem>>
    tpu.enqueue_dma source(%dma_start3A_131 : memref<128x128xf32, #tpu.memory_space<vmem>>) target(%dma_start3A_127 : memref<128x128xf32, #tpu.memory_space<hbm>>) target_semaphore(%arg11 : memref<!tpu.dma_semaphore, #tpu.memory_space<semaphore_mem>>)
    %dma_wait3A_132 = arith.constant 3 : i32
    %dma_wait3A_133 = arith.constant 3 : i32
    %dma_wait3A_134 = arith.constant 0 : i32
    %dma_wait3A_135 = arith.constant 0 : i32
    %dma_wait3A_136 = tpu.memref_slice %arg6[%dma_wait3A_133, %dma_wait3A_134, %dma_wait3A_135] : memref<4x128x128xf32, #tpu.memory_space<vmem>> -> memref<1x128x128xf32, #tpu.memory_space<vmem>>
    %dma_wait3A_137 = tpu.memref_squeeze %dma_wait3A_136 : memref<1x128x128xf32, #tpu.memory_space<vmem>> -> memref<128x128xf32, #tpu.memory_space<vmem>>
    %dma_wait3A_138 = arith.constant 0 : i32
    %dma_wait3A_139 = tpu.memref_slice %arg5[%dma_wait3A_132, %dma_wait3A_138] : memref<4x128xi32, #tpu.memory_space<vmem>> -> memref<1x128xi32, #tpu.memory_space<vmem>>
    %dma_wait3A_140 = tpu.memref_squeeze %dma_wait3A_139 : memref<1x128xi32, #tpu.memory_space<vmem>> -> memref<128xi32, #tpu.memory_space<vmem>>
    %dma_wait3A_141 = arith.constant 0 : i32
    %dma_wait3A_142 = arith.constant 0 : i32
    %dma_wait3A_143 = tpu.memref_slice %arg2[%dma_wait3A_141, %dma_wait3A_142] : memref<16384x128xf32, #tpu.memory_space<hbm>> -> memref<16384x128xf32, #tpu.memory_space<hbm>>
    tpu.wait_indirect_dma semaphore(%arg10 : memref<!tpu.dma_semaphore, #tpu.memory_space<semaphore_mem>>) src(%dma_wait3A_143 : memref<16384x128xf32, #tpu.memory_space<hbm>>) dst(%dma_wait3A_137 : memref<128x128xf32, #tpu.memory_space<vmem>>)
    %add3A_144 = arith.constant 384 : i32
    %add3A_145 = arith.addi %mul3A_2, %add3A_144 : i32
    %dma_start3A_146 = arith.constant 3 : i32
    %dma_start3A_147 = arith.constant 0 : i32
    %dma_start3A_148 = arith.constant 0 : i32
    %dma_start3A_149 = tpu.memref_slice %arg6[%dma_start3A_146, %dma_start3A_147, %dma_start3A_148] : memref<4x128x128xf32, #tpu.memory_space<vmem>> -> memref<1x128x128xf32, #tpu.memory_space<vmem>>
    %dma_start3A_150 = tpu.memref_squeeze %dma_start3A_149 : memref<1x128x128xf32, #tpu.memory_space<vmem>> -> memref<128x128xf32, #tpu.memory_space<vmem>>
    %dma_start3A_151 = arith.constant 0 : i32
    %dma_start3A_152 = tpu.memref_slice %arg4[%add3A_145, %dma_start3A_151] : memref<16384x128xf32, #tpu.memory_space<hbm>> -> memref<128x128xf32, #tpu.memory_space<hbm>>
    %dma_start3A_153 = arith.constant 0 : i32
    %dma_start3A_154 = tpu.memref_slice %arg4[%add3A_145, %dma_start3A_153] : memref<16384x128xf32, #tpu.memory_space<hbm>> -> memref<128x128xf32, #tpu.memory_space<hbm>>
    %dma_start3A_155 = arith.constant 0 : i32
    %dma_start3A_156 = arith.constant 0 : i32
    %dma_start3A_157 = tpu.memref_slice %arg6[%dma_start3A_146, %dma_start3A_155, %dma_start3A_156] : memref<4x128x128xf32, #tpu.memory_space<vmem>> -> memref<1x128x128xf32, #tpu.memory_space<vmem>>
    %dma_start3A_158 = tpu.memref_squeeze %dma_start3A_157 : memref<1x128x128xf32, #tpu.memory_space<vmem>> -> memref<128x128xf32, #tpu.memory_space<vmem>>
    tpu.enqueue_dma source(%dma_start3A_158 : memref<128x128xf32, #tpu.memory_space<vmem>>) target(%dma_start3A_154 : memref<128x128xf32, #tpu.memory_space<hbm>>) target_semaphore(%arg11 : memref<!tpu.dma_semaphore, #tpu.memory_space<semaphore_mem>>)
    %dma_wait3A_159 = arith.constant 0 : i32
    %dma_wait3A_160 = arith.constant 0 : i32
    %dma_wait3A_161 = arith.constant 0 : i32
    %dma_wait3A_162 = tpu.memref_slice %arg6[%dma_wait3A_159, %dma_wait3A_160, %dma_wait3A_161] : memref<4x128x128xf32, #tpu.memory_space<vmem>> -> memref<1x128x128xf32, #tpu.memory_space<vmem>>
    %dma_wait3A_163 = tpu.memref_squeeze %dma_wait3A_162 : memref<1x128x128xf32, #tpu.memory_space<vmem>> -> memref<128x128xf32, #tpu.memory_space<vmem>>
    %dma_wait3A_164 = arith.constant 0 : i32
    %dma_wait3A_165 = tpu.memref_slice %arg4[%add3A_64, %dma_wait3A_164] : memref<16384x128xf32, #tpu.memory_space<hbm>> -> memref<128x128xf32, #tpu.memory_space<hbm>>
    %dma_wait3A_166 = arith.constant 0 : i32
    %dma_wait3A_167 = tpu.memref_slice %arg4[%add3A_64, %dma_wait3A_166] : memref<16384x128xf32, #tpu.memory_space<hbm>> -> memref<128x128xf32, #tpu.memory_space<hbm>>
    %dma_wait3A_168 = arith.constant 0 : i32
    %dma_wait3A_169 = arith.constant 0 : i32
    %dma_wait3A_170 = tpu.memref_slice %arg6[%dma_wait3A_159, %dma_wait3A_168, %dma_wait3A_169] : memref<4x128x128xf32, #tpu.memory_space<vmem>> -> memref<1x128x128xf32, #tpu.memory_space<vmem>>
    %dma_wait3A_171 = tpu.memref_squeeze %dma_wait3A_170 : memref<1x128x128xf32, #tpu.memory_space<vmem>> -> memref<128x128xf32, #tpu.memory_space<vmem>>
    tpu.wait_dma2 semaphore(%arg11 : memref<!tpu.dma_semaphore, #tpu.memory_space<semaphore_mem>>) src(%dma_wait3A_171 : memref<128x128xf32, #tpu.memory_space<vmem>>) dst(%dma_wait3A_167 : memref<128x128xf32, #tpu.memory_space<hbm>>)
    %dma_wait3A_172 = arith.constant 1 : i32
    %dma_wait3A_173 = arith.constant 0 : i32
    %dma_wait3A_174 = arith.constant 0 : i32
    %dma_wait3A_175 = tpu.memref_slice %arg6[%dma_wait3A_172, %dma_wait3A_173, %dma_wait3A_174] : memref<4x128x128xf32, #tpu.memory_space<vmem>> -> memref<1x128x128xf32, #tpu.memory_space<vmem>>
    %dma_wait3A_176 = tpu.memref_squeeze %dma_wait3A_175 : memref<1x128x128xf32, #tpu.memory_space<vmem>> -> memref<128x128xf32, #tpu.memory_space<vmem>>
    %dma_wait3A_177 = arith.constant 0 : i32
    %dma_wait3A_178 = tpu.memref_slice %arg4[%add3A_91, %dma_wait3A_177] : memref<16384x128xf32, #tpu.memory_space<hbm>> -> memref<128x128xf32, #tpu.memory_space<hbm>>
    %dma_wait3A_179 = arith.constant 0 : i32
    %dma_wait3A_180 = tpu.memref_slice %arg4[%add3A_91, %dma_wait3A_179] : memref<16384x128xf32, #tpu.memory_space<hbm>> -> memref<128x128xf32, #tpu.memory_space<hbm>>
    %dma_wait3A_181 = arith.constant 0 : i32
    %dma_wait3A_182 = arith.constant 0 : i32
    %dma_wait3A_183 = tpu.memref_slice %arg6[%dma_wait3A_172, %dma_wait3A_181, %dma_wait3A_182] : memref<4x128x128xf32, #tpu.memory_space<vmem>> -> memref<1x128x128xf32, #tpu.memory_space<vmem>>
    %dma_wait3A_184 = tpu.memref_squeeze %dma_wait3A_183 : memref<1x128x128xf32, #tpu.memory_space<vmem>> -> memref<128x128xf32, #tpu.memory_space<vmem>>
    tpu.wait_dma2 semaphore(%arg11 : memref<!tpu.dma_semaphore, #tpu.memory_space<semaphore_mem>>) src(%dma_wait3A_184 : memref<128x128xf32, #tpu.memory_space<vmem>>) dst(%dma_wait3A_180 : memref<128x128xf32, #tpu.memory_space<hbm>>)
    %dma_wait3A_185 = arith.constant 2 : i32
    %dma_wait3A_186 = arith.constant 0 : i32
    %dma_wait3A_187 = arith.constant 0 : i32
    %dma_wait3A_188 = tpu.memref_slice %arg6[%dma_wait3A_185, %dma_wait3A_186, %dma_wait3A_187] : memref<4x128x128xf32, #tpu.memory_space<vmem>> -> memref<1x128x128xf32, #tpu.memory_space<vmem>>
    %dma_wait3A_189 = tpu.memref_squeeze %dma_wait3A_188 : memref<1x128x128xf32, #tpu.memory_space<vmem>> -> memref<128x128xf32, #tpu.memory_space<vmem>>
    %dma_wait3A_190 = arith.constant 0 : i32
    %dma_wait3A_191 = tpu.memref_slice %arg4[%add3A_118, %dma_wait3A_190] : memref<16384x128xf32, #tpu.memory_space<hbm>> -> memref<128x128xf32, #tpu.memory_space<hbm>>
    %dma_wait3A_192 = arith.constant 0 : i32
    %dma_wait3A_193 = tpu.memref_slice %arg4[%add3A_118, %dma_wait3A_192] : memref<16384x128xf32, #tpu.memory_space<hbm>> -> memref<128x128xf32, #tpu.memory_space<hbm>>
    %dma_wait3A_194 = arith.constant 0 : i32
    %dma_wait3A_195 = arith.constant 0 : i32
    %dma_wait3A_196 = tpu.memref_slice %arg6[%dma_wait3A_185, %dma_wait3A_194, %dma_wait3A_195] : memref<4x128x128xf32, #tpu.memory_space<vmem>> -> memref<1x128x128xf32, #tpu.memory_space<vmem>>
    %dma_wait3A_197 = tpu.memref_squeeze %dma_wait3A_196 : memref<1x128x128xf32, #tpu.memory_space<vmem>> -> memref<128x128xf32, #tpu.memory_space<vmem>>
    tpu.wait_dma2 semaphore(%arg11 : memref<!tpu.dma_semaphore, #tpu.memory_space<semaphore_mem>>) src(%dma_wait3A_197 : memref<128x128xf32, #tpu.memory_space<vmem>>) dst(%dma_wait3A_193 : memref<128x128xf32, #tpu.memory_space<hbm>>)
    %dma_wait3A_198 = arith.constant 3 : i32
    %dma_wait3A_199 = arith.constant 0 : i32
    %dma_wait3A_200 = arith.constant 0 : i32
    %dma_wait3A_201 = tpu.memref_slice %arg6[%dma_wait3A_198, %dma_wait3A_199, %dma_wait3A_200] : memref<4x128x128xf32, #tpu.memory_space<vmem>> -> memref<1x128x128xf32, #tpu.memory_space<vmem>>
    %dma_wait3A_202 = tpu.memref_squeeze %dma_wait3A_201 : memref<1x128x128xf32, #tpu.memory_space<vmem>> -> memref<128x128xf32, #tpu.memory_space<vmem>>
    %dma_wait3A_203 = arith.constant 0 : i32
    %dma_wait3A_204 = tpu.memref_slice %arg4[%add3A_145, %dma_wait3A_203] : memref<16384x128xf32, #tpu.memory_space<hbm>> -> memref<128x128xf32, #tpu.memory_space<hbm>>
    %dma_wait3A_205 = arith.constant 0 : i32
    %dma_wait3A_206 = tpu.memref_slice %arg4[%add3A_145, %dma_wait3A_205] : memref<16384x128xf32, #tpu.memory_space<hbm>> -> memref<128x128xf32, #tpu.memory_space<hbm>>
    %dma_wait3A_207 = arith.constant 0 : i32
    %dma_wait3A_208 = arith.constant 0 : i32
    %dma_wait3A_209 = tpu.memref_slice %arg6[%dma_wait3A_198, %dma_wait3A_207, %dma_wait3A_208] : memref<4x128x128xf32, #tpu.memory_space<vmem>> -> memref<1x128x128xf32, #tpu.memory_space<vmem>>
    %dma_wait3A_210 = tpu.memref_squeeze %dma_wait3A_209 : memref<1x128x128xf32, #tpu.memory_space<vmem>> -> memref<128x128xf32, #tpu.memory_space<vmem>>
    tpu.wait_dma2 semaphore(%arg11 : memref<!tpu.dma_semaphore, #tpu.memory_space<semaphore_mem>>) src(%dma_wait3A_210 : memref<128x128xf32, #tpu.memory_space<vmem>>) dst(%dma_wait3A_206 : memref<128x128xf32, #tpu.memory_space<hbm>>)
    return
  }
}

module attributes {stable_mosaic.version = 14 : i64} {
  func.func @_argmin_body(%arg0: i32, %arg1: memref<8x1024x128xf32, #tpu.memory_space<vmem>>, %arg2: memref<8x1024x128xf32, #tpu.memory_space<vmem>>, %arg3: memref<8x1024xi32, #tpu.memory_space<vmem>>, %arg4: memref<64x128xi32, #tpu.memory_space<vmem>>, %arg5: memref<8x128xf32, #tpu.memory_space<vmem>>) attributes {dimension_semantics = [#tpu.dimension_semantics<arbitrary>], iteration_bounds = array<i64: 2>, scalar_prefetch = 0 : i64, scratch_operands = 0 : i64, tpu.core_type = #tpu.core_type<tc>, window_params = [{transform_indices = @transform_0, window_bounds = array<i64: 8, 1024, 128>}, {transform_indices = @transform_1, window_bounds = array<i64: 8, 1024, 128>}, {transform_indices = @transform_2, window_bounds = array<i64: 8, 1024>}, {transform_indices = @transform_3, window_bounds = array<i64: 64, 128>}, {pipeline_mode = #tpu.pipeline_mode<synchronous>, transform_indices = @transform_4, window_bounds = array<i64: 8, 128>}]} {
    %broadcast_in_dim3A = arith.constant 0.000000e+00 : f32
    %broadcast_in_dim3A_0 = vector.broadcast %broadcast_in_dim3A : f32 to vector<128xf32>
    %get3A = arith.constant 0 : index
    %get3A_1 = arith.constant 0 : index
    %get3A_2 = arith.constant 0 : index
    %get3A_3 = vector.load %arg1[%get3A, %get3A_1, %get3A_2] : memref<8x1024x128xf32, #tpu.memory_space<vmem>>, vector<1x1024x128xf32>
    %get3A_4 = vector.shape_cast %get3A_3 : vector<1x1024x128xf32> to vector<1024x128xf32>
    %get3A_5 = arith.constant 0 : index
    %get3A_6 = arith.constant 0 : index
    %get3A_7 = arith.constant 0 : index
    %get3A_8 = vector.load %arg2[%get3A_5, %get3A_6, %get3A_7] : memref<8x1024x128xf32, #tpu.memory_space<vmem>>, vector<1x1024x128xf32>
    %get3A_9 = vector.shape_cast %get3A_8 : vector<1x1024x128xf32> to vector<1024x128xf32>
    %mul3A = arith.constant -2.000000e+00 : f32
    %mul3A_10 = vector.broadcast %mul3A : f32 to vector<1024x128xf32>
    %mul3A_11 = arith.mulf %get3A_9, %mul3A_10 : vector<1024x128xf32>
    %dot_general3A = arith.constant dense<0.000000e+00> : vector<1024x1024xf32>
    %dot_general3A_12 = tpu.matmul %mul3A_11, %get3A_4, %dot_general3A {dimension_numbers = #tpu.dot_dimension_numbers<[1], [1], [0], [0], [0, 0, 1, 0], [], []>, transpose_lhs_hint = false} : vector<1024x128xf32>, vector<1024x128xf32>, vector<1024x1024xf32> -> vector<1024x1024xf32>
    %mul3A_13 = arith.mulf %get3A_9, %get3A_9 : vector<1024x128xf32>
    %reduce_sum3A = arith.constant dense<0.000000e+00> : vector<1024xf32>
    %reduce_sum3A_14 = vector.multi_reduction <add>, %mul3A_13, %reduce_sum3A [1] : vector<1024x128xf32> to vector<1024xf32>
    %broadcast_in_dim3A_15 = vector.shape_cast %reduce_sum3A_14 : vector<1024xf32> to vector<1024x1xf32>
    %add3A = vector.broadcast %broadcast_in_dim3A_15 : vector<1024x1xf32> to vector<1024x1024xf32>
    %add3A_16 = arith.addf %dot_general3A_12, %add3A : vector<1024x1024xf32>
    %reduce_min3A = arith.constant dense<0x7F800000> : vector<1024xf32>
    %reduce_min3A_17 = vector.multi_reduction <minimumf>, %add3A_16, %reduce_min3A [0] : vector<1024x1024xf32> to vector<1024xf32>
    %broadcast_in_dim3A_18 = vector.shape_cast %reduce_min3A_17 : vector<1024xf32> to vector<1x1024xf32>
    %iota3A = tpu.iota {dimensions = array<i32: 0>} : vector<1024x1024xi32>
    %eq3A = vector.broadcast %broadcast_in_dim3A_18 : vector<1x1024xf32> to vector<1024x1024xf32>
    %eq3A_19 = arith.cmpf oeq, %add3A_16, %eq3A : vector<1024x1024xf32>
    %jit3A = arith.constant 1024 : i32
    %broadcast_in_dim3A_20 = vector.broadcast %jit3A : i32 to vector<1024x1024xi32>
    %select_n3A = arith.select %eq3A_19, %iota3A, %broadcast_in_dim3A_20 : vector<1024x1024xi1>, vector<1024x1024xi32>
    %reduce_min3A_21 = arith.constant dense<2147483647> : vector<1024xi32>
    %reduce_min3A_22 = vector.multi_reduction <minsi>, %select_n3A, %reduce_min3A_21 [0] : vector<1024x1024xi32> to vector<1024xi32>
    %swap3A = arith.constant 0 : index
    %swap3A_23 = arith.constant 0 : index
    %swap3A_24 = vector.load %arg3[%swap3A, %swap3A_23] : memref<8x1024xi32, #tpu.memory_space<vmem>>, vector<1x1024xi32>
    %swap3A_25 = vector.shape_cast %swap3A_24 : vector<1x1024xi32> to vector<1024xi32>
    %swap3A_26 = vector.shape_cast %reduce_min3A_22 : vector<1024xi32> to vector<1x1024xi32>
    tpu.vector_store %arg3[%swap3A, %swap3A_23], %swap3A_26 {strides = array<i32>} : memref<8x1024xi32, #tpu.memory_space<vmem>>, vector<1x1024xi32>,
    %mul3A_27 = arith.constant 8 : i32
    %mul3A_28 = arith.muli %arg0, %mul3A_27 : i32
    %add3A_29 = arith.constant 0 : i32
    %add3A_30 = arith.addi %mul3A_28, %add3A_29 : i32
    %mul3A_31 = arith.constant 1024 : i32
    %mul3A_32 = arith.muli %add3A_30, %mul3A_31 : i32
    %add3A_33 = vector.broadcast %mul3A_32 : i32 to vector<1024xi32>
    %add3A_34 = arith.addi %reduce_min3A_22, %add3A_33 : vector<1024xi32>
    %reshape3A = vector.shape_cast %add3A_34 : vector<1024xi32> to vector<8x128xi32>
    %swap3A_35 = arith.constant 0 : index
    %swap3A_36 = arith.constant 0 : index
    %swap3A_37 = vector.load %arg4[%swap3A_35, %swap3A_36] : memref<64x128xi32, #tpu.memory_space<vmem>>, vector<8x128xi32>
    tpu.vector_store %arg4[%swap3A_35, %swap3A_36], %reshape3A {strides = array<i32>} : memref<64x128xi32, #tpu.memory_space<vmem>>, vector<8x128xi32>,
    %mul3A_38 = arith.mulf %get3A_4, %get3A_4 : vector<1024x128xf32>
    %reduce_sum3A_39 = arith.constant dense<0.000000e+00> : vector<128xf32>
    %reduce_sum3A_40 = vector.multi_reduction <add>, %mul3A_38, %reduce_sum3A_39 [0] : vector<1024x128xf32> to vector<128xf32>
    %squeeze3A = vector.shape_cast %broadcast_in_dim3A_18 : vector<1x1024xf32> to vector<1024xf32>
    %reshape3A_41 = vector.shape_cast %squeeze3A : vector<1024xf32> to vector<8x128xf32>
    %reduce_sum3A_42 = arith.constant dense<0.000000e+00> : vector<128xf32>
    %reduce_sum3A_43 = vector.multi_reduction <add>, %reshape3A_41, %reduce_sum3A_42 [0] : vector<8x128xf32> to vector<128xf32>
    %add3A_44 = arith.addf %reduce_sum3A_40, %reduce_sum3A_43 : vector<128xf32>
    %add3A_45 = arith.addf %broadcast_in_dim3A_0, %add3A_44 : vector<128xf32>
    %get3A_46 = arith.constant 1 : index
    %get3A_47 = arith.constant 0 : index
    %get3A_48 = arith.constant 0 : index
    %get3A_49 = vector.load %arg1[%get3A_46, %get3A_47, %get3A_48] : memref<8x1024x128xf32, #tpu.memory_space<vmem>>, vector<1x1024x128xf32>
    %get3A_50 = vector.shape_cast %get3A_49 : vector<1x1024x128xf32> to vector<1024x128xf32>
    %get3A_51 = arith.constant 1 : index
    %get3A_52 = arith.constant 0 : index
    %get3A_53 = arith.constant 0 : index
    %get3A_54 = vector.load %arg2[%get3A_51, %get3A_52, %get3A_53] : memref<8x1024x128xf32, #tpu.memory_space<vmem>>, vector<1x1024x128xf32>
    %get3A_55 = vector.shape_cast %get3A_54 : vector<1x1024x128xf32> to vector<1024x128xf32>
    %mul3A_56 = arith.constant -2.000000e+00 : f32
    %mul3A_57 = vector.broadcast %mul3A_56 : f32 to vector<1024x128xf32>
    %mul3A_58 = arith.mulf %get3A_55, %mul3A_57 : vector<1024x128xf32>
    %dot_general3A_59 = arith.constant dense<0.000000e+00> : vector<1024x1024xf32>
    %dot_general3A_60 = tpu.matmul %mul3A_58, %get3A_50, %dot_general3A_59 {dimension_numbers = #tpu.dot_dimension_numbers<[1], [1], [0], [0], [0, 0, 1, 0], [], []>, transpose_lhs_hint = false} : vector<1024x128xf32>, vector<1024x128xf32>, vector<1024x1024xf32> -> vector<1024x1024xf32>
    %mul3A_61 = arith.mulf %get3A_55, %get3A_55 : vector<1024x128xf32>
    %reduce_sum3A_62 = arith.constant dense<0.000000e+00> : vector<1024xf32>
    %reduce_sum3A_63 = vector.multi_reduction <add>, %mul3A_61, %reduce_sum3A_62 [1] : vector<1024x128xf32> to vector<1024xf32>
    %broadcast_in_dim3A_64 = vector.shape_cast %reduce_sum3A_63 : vector<1024xf32> to vector<1024x1xf32>
    %add3A_65 = vector.broadcast %broadcast_in_dim3A_64 : vector<1024x1xf32> to vector<1024x1024xf32>
    %add3A_66 = arith.addf %dot_general3A_60, %add3A_65 : vector<1024x1024xf32>
    %reduce_min3A_67 = arith.constant dense<0x7F800000> : vector<1024xf32>
    %reduce_min3A_68 = vector.multi_reduction <minimumf>, %add3A_66, %reduce_min3A_67 [0] : vector<1024x1024xf32> to vector<1024xf32>
    %broadcast_in_dim3A_69 = vector.shape_cast %reduce_min3A_68 : vector<1024xf32> to vector<1x1024xf32>
    %iota3A_70 = tpu.iota {dimensions = array<i32: 0>} : vector<1024x1024xi32>
    %eq3A_71 = vector.broadcast %broadcast_in_dim3A_69 : vector<1x1024xf32> to vector<1024x1024xf32>
    %eq3A_72 = arith.cmpf oeq, %add3A_66, %eq3A_71 : vector<1024x1024xf32>
    %jit3A_73 = arith.constant 1024 : i32
    %broadcast_in_dim3A_74 = vector.broadcast %jit3A_73 : i32 to vector<1024x1024xi32>
    %select_n3A_75 = arith.select %eq3A_72, %iota3A_70, %broadcast_in_dim3A_74 : vector<1024x1024xi1>, vector<1024x1024xi32>
    %reduce_min3A_76 = arith.constant dense<2147483647> : vector<1024xi32>
    %reduce_min3A_77 = vector.multi_reduction <minsi>, %select_n3A_75, %reduce_min3A_76 [0] : vector<1024x1024xi32> to vector<1024xi32>
    %swap3A_78 = arith.constant 1 : index
    %swap3A_79 = arith.constant 0 : index
    %swap3A_80 = vector.load %arg3[%swap3A_78, %swap3A_79] : memref<8x1024xi32, #tpu.memory_space<vmem>>, vector<1x1024xi32>
    %swap3A_81 = vector.shape_cast %swap3A_80 : vector<1x1024xi32> to vector<1024xi32>
    %swap3A_82 = vector.shape_cast %reduce_min3A_77 : vector<1024xi32> to vector<1x1024xi32>
    tpu.vector_store %arg3[%swap3A_78, %swap3A_79], %swap3A_82 {strides = array<i32>} : memref<8x1024xi32, #tpu.memory_space<vmem>>, vector<1x1024xi32>,
    %mul3A_83 = arith.constant 8 : i32
    %mul3A_84 = arith.muli %arg0, %mul3A_83 : i32
    %add3A_85 = arith.constant 1 : i32
    %add3A_86 = arith.addi %mul3A_84, %add3A_85 : i32
    %mul3A_87 = arith.constant 1024 : i32
    %mul3A_88 = arith.muli %add3A_86, %mul3A_87 : i32
    %add3A_89 = vector.broadcast %mul3A_88 : i32 to vector<1024xi32>
    %add3A_90 = arith.addi %reduce_min3A_77, %add3A_89 : vector<1024xi32>
    %reshape3A_91 = vector.shape_cast %add3A_90 : vector<1024xi32> to vector<8x128xi32>
    %swap3A_92 = arith.constant 8 : index
    %swap3A_93 = arith.constant 0 : index
    %swap3A_94 = vector.load %arg4[%swap3A_92, %swap3A_93] : memref<64x128xi32, #tpu.memory_space<vmem>>, vector<8x128xi32>
    tpu.vector_store %arg4[%swap3A_92, %swap3A_93], %reshape3A_91 {strides = array<i32>} : memref<64x128xi32, #tpu.memory_space<vmem>>, vector<8x128xi32>,
    %mul3A_95 = arith.mulf %get3A_50, %get3A_50 : vector<1024x128xf32>
    %reduce_sum3A_96 = arith.constant dense<0.000000e+00> : vector<128xf32>
    %reduce_sum3A_97 = vector.multi_reduction <add>, %mul3A_95, %reduce_sum3A_96 [0] : vector<1024x128xf32> to vector<128xf32>
    %squeeze3A_98 = vector.shape_cast %broadcast_in_dim3A_69 : vector<1x1024xf32> to vector<1024xf32>
    %reshape3A_99 = vector.shape_cast %squeeze3A_98 : vector<1024xf32> to vector<8x128xf32>
    %reduce_sum3A_100 = arith.constant dense<0.000000e+00> : vector<128xf32>
    %reduce_sum3A_101 = vector.multi_reduction <add>, %reshape3A_99, %reduce_sum3A_100 [0] : vector<8x128xf32> to vector<128xf32>
    %add3A_102 = arith.addf %reduce_sum3A_97, %reduce_sum3A_101 : vector<128xf32>
    %add3A_103 = arith.addf %add3A_45, %add3A_102 : vector<128xf32>
    %get3A_104 = arith.constant 2 : index
    %get3A_105 = arith.constant 0 : index
    %get3A_106 = arith.constant 0 : index
    %get3A_107 = vector.load %arg1[%get3A_104, %get3A_105, %get3A_106] : memref<8x1024x128xf32, #tpu.memory_space<vmem>>, vector<1x1024x128xf32>
    %get3A_108 = vector.shape_cast %get3A_107 : vector<1x1024x128xf32> to vector<1024x128xf32>
    %get3A_109 = arith.constant 2 : index
    %get3A_110 = arith.constant 0 : index
    %get3A_111 = arith.constant 0 : index
    %get3A_112 = vector.load %arg2[%get3A_109, %get3A_110, %get3A_111] : memref<8x1024x128xf32, #tpu.memory_space<vmem>>, vector<1x1024x128xf32>
    %get3A_113 = vector.shape_cast %get3A_112 : vector<1x1024x128xf32> to vector<1024x128xf32>
    %mul3A_114 = arith.constant -2.000000e+00 : f32
    %mul3A_115 = vector.broadcast %mul3A_114 : f32 to vector<1024x128xf32>
    %mul3A_116 = arith.mulf %get3A_113, %mul3A_115 : vector<1024x128xf32>
    %dot_general3A_117 = arith.constant dense<0.000000e+00> : vector<1024x1024xf32>
    %dot_general3A_118 = tpu.matmul %mul3A_116, %get3A_108, %dot_general3A_117 {dimension_numbers = #tpu.dot_dimension_numbers<[1], [1], [0], [0], [0, 0, 1, 0], [], []>, transpose_lhs_hint = false} : vector<1024x128xf32>, vector<1024x128xf32>, vector<1024x1024xf32> -> vector<1024x1024xf32>
    %mul3A_119 = arith.mulf %get3A_113, %get3A_113 : vector<1024x128xf32>
    %reduce_sum3A_120 = arith.constant dense<0.000000e+00> : vector<1024xf32>
    %reduce_sum3A_121 = vector.multi_reduction <add>, %mul3A_119, %reduce_sum3A_120 [1] : vector<1024x128xf32> to vector<1024xf32>
    %broadcast_in_dim3A_122 = vector.shape_cast %reduce_sum3A_121 : vector<1024xf32> to vector<1024x1xf32>
    %add3A_123 = vector.broadcast %broadcast_in_dim3A_122 : vector<1024x1xf32> to vector<1024x1024xf32>
    %add3A_124 = arith.addf %dot_general3A_118, %add3A_123 : vector<1024x1024xf32>
    %reduce_min3A_125 = arith.constant dense<0x7F800000> : vector<1024xf32>
    %reduce_min3A_126 = vector.multi_reduction <minimumf>, %add3A_124, %reduce_min3A_125 [0] : vector<1024x1024xf32> to vector<1024xf32>
    %broadcast_in_dim3A_127 = vector.shape_cast %reduce_min3A_126 : vector<1024xf32> to vector<1x1024xf32>
    %iota3A_128 = tpu.iota {dimensions = array<i32: 0>} : vector<1024x1024xi32>
    %eq3A_129 = vector.broadcast %broadcast_in_dim3A_127 : vector<1x1024xf32> to vector<1024x1024xf32>
    %eq3A_130 = arith.cmpf oeq, %add3A_124, %eq3A_129 : vector<1024x1024xf32>
    %jit3A_131 = arith.constant 1024 : i32
    %broadcast_in_dim3A_132 = vector.broadcast %jit3A_131 : i32 to vector<1024x1024xi32>
    %select_n3A_133 = arith.select %eq3A_130, %iota3A_128, %broadcast_in_dim3A_132 : vector<1024x1024xi1>, vector<1024x1024xi32>
    %reduce_min3A_134 = arith.constant dense<2147483647> : vector<1024xi32>
    %reduce_min3A_135 = vector.multi_reduction <minsi>, %select_n3A_133, %reduce_min3A_134 [0] : vector<1024x1024xi32> to vector<1024xi32>
    %swap3A_136 = arith.constant 2 : index
    %swap3A_137 = arith.constant 0 : index
    %swap3A_138 = vector.load %arg3[%swap3A_136, %swap3A_137] : memref<8x1024xi32, #tpu.memory_space<vmem>>, vector<1x1024xi32>
    %swap3A_139 = vector.shape_cast %swap3A_138 : vector<1x1024xi32> to vector<1024xi32>
    %swap3A_140 = vector.shape_cast %reduce_min3A_135 : vector<1024xi32> to vector<1x1024xi32>
    tpu.vector_store %arg3[%swap3A_136, %swap3A_137], %swap3A_140 {strides = array<i32>} : memref<8x1024xi32, #tpu.memory_space<vmem>>, vector<1x1024xi32>,
    %mul3A_141 = arith.constant 8 : i32
    %mul3A_142 = arith.muli %arg0, %mul3A_141 : i32
    %add3A_143 = arith.constant 2 : i32
    %add3A_144 = arith.addi %mul3A_142, %add3A_143 : i32
    %mul3A_145 = arith.constant 1024 : i32
    %mul3A_146 = arith.muli %add3A_144, %mul3A_145 : i32
    %add3A_147 = vector.broadcast %mul3A_146 : i32 to vector<1024xi32>
    %add3A_148 = arith.addi %reduce_min3A_135, %add3A_147 : vector<1024xi32>
    %reshape3A_149 = vector.shape_cast %add3A_148 : vector<1024xi32> to vector<8x128xi32>
    %swap3A_150 = arith.constant 16 : index
    %swap3A_151 = arith.constant 0 : index
    %swap3A_152 = vector.load %arg4[%swap3A_150, %swap3A_151] : memref<64x128xi32, #tpu.memory_space<vmem>>, vector<8x128xi32>
    tpu.vector_store %arg4[%swap3A_150, %swap3A_151], %reshape3A_149 {strides = array<i32>} : memref<64x128xi32, #tpu.memory_space<vmem>>, vector<8x128xi32>,
    %mul3A_153 = arith.mulf %get3A_108, %get3A_108 : vector<1024x128xf32>
    %reduce_sum3A_154 = arith.constant dense<0.000000e+00> : vector<128xf32>
    %reduce_sum3A_155 = vector.multi_reduction <add>, %mul3A_153, %reduce_sum3A_154 [0] : vector<1024x128xf32> to vector<128xf32>
    %squeeze3A_156 = vector.shape_cast %broadcast_in_dim3A_127 : vector<1x1024xf32> to vector<1024xf32>
    %reshape3A_157 = vector.shape_cast %squeeze3A_156 : vector<1024xf32> to vector<8x128xf32>
    %reduce_sum3A_158 = arith.constant dense<0.000000e+00> : vector<128xf32>
    %reduce_sum3A_159 = vector.multi_reduction <add>, %reshape3A_157, %reduce_sum3A_158 [0] : vector<8x128xf32> to vector<128xf32>
    %add3A_160 = arith.addf %reduce_sum3A_155, %reduce_sum3A_159 : vector<128xf32>
    %add3A_161 = arith.addf %add3A_103, %add3A_160 : vector<128xf32>
    %get3A_162 = arith.constant 3 : index
    %get3A_163 = arith.constant 0 : index
    %get3A_164 = arith.constant 0 : index
    %get3A_165 = vector.load %arg1[%get3A_162, %get3A_163, %get3A_164] : memref<8x1024x128xf32, #tpu.memory_space<vmem>>, vector<1x1024x128xf32>
    %get3A_166 = vector.shape_cast %get3A_165 : vector<1x1024x128xf32> to vector<1024x128xf32>
    %get3A_167 = arith.constant 3 : index
    %get3A_168 = arith.constant 0 : index
    %get3A_169 = arith.constant 0 : index
    %get3A_170 = vector.load %arg2[%get3A_167, %get3A_168, %get3A_169] : memref<8x1024x128xf32, #tpu.memory_space<vmem>>, vector<1x1024x128xf32>
    %get3A_171 = vector.shape_cast %get3A_170 : vector<1x1024x128xf32> to vector<1024x128xf32>
    %mul3A_172 = arith.constant -2.000000e+00 : f32
    %mul3A_173 = vector.broadcast %mul3A_172 : f32 to vector<1024x128xf32>
    %mul3A_174 = arith.mulf %get3A_171, %mul3A_173 : vector<1024x128xf32>
    %dot_general3A_175 = arith.constant dense<0.000000e+00> : vector<1024x1024xf32>
    %dot_general3A_176 = tpu.matmul %mul3A_174, %get3A_166, %dot_general3A_175 {dimension_numbers = #tpu.dot_dimension_numbers<[1], [1], [0], [0], [0, 0, 1, 0], [], []>, transpose_lhs_hint = false} : vector<1024x128xf32>, vector<1024x128xf32>, vector<1024x1024xf32> -> vector<1024x1024xf32>
    %mul3A_177 = arith.mulf %get3A_171, %get3A_171 : vector<1024x128xf32>
    %reduce_sum3A_178 = arith.constant dense<0.000000e+00> : vector<1024xf32>
    %reduce_sum3A_179 = vector.multi_reduction <add>, %mul3A_177, %reduce_sum3A_178 [1] : vector<1024x128xf32> to vector<1024xf32>
    %broadcast_in_dim3A_180 = vector.shape_cast %reduce_sum3A_179 : vector<1024xf32> to vector<1024x1xf32>
    %add3A_181 = vector.broadcast %broadcast_in_dim3A_180 : vector<1024x1xf32> to vector<1024x1024xf32>
    %add3A_182 = arith.addf %dot_general3A_176, %add3A_181 : vector<1024x1024xf32>
    %reduce_min3A_183 = arith.constant dense<0x7F800000> : vector<1024xf32>
    %reduce_min3A_184 = vector.multi_reduction <minimumf>, %add3A_182, %reduce_min3A_183 [0] : vector<1024x1024xf32> to vector<1024xf32>
    %broadcast_in_dim3A_185 = vector.shape_cast %reduce_min3A_184 : vector<1024xf32> to vector<1x1024xf32>
    %iota3A_186 = tpu.iota {dimensions = array<i32: 0>} : vector<1024x1024xi32>
    %eq3A_187 = vector.broadcast %broadcast_in_dim3A_185 : vector<1x1024xf32> to vector<1024x1024xf32>
    %eq3A_188 = arith.cmpf oeq, %add3A_182, %eq3A_187 : vector<1024x1024xf32>
    %jit3A_189 = arith.constant 1024 : i32
    %broadcast_in_dim3A_190 = vector.broadcast %jit3A_189 : i32 to vector<1024x1024xi32>
    %select_n3A_191 = arith.select %eq3A_188, %iota3A_186, %broadcast_in_dim3A_190 : vector<1024x1024xi1>, vector<1024x1024xi32>
    %reduce_min3A_192 = arith.constant dense<2147483647> : vector<1024xi32>
    %reduce_min3A_193 = vector.multi_reduction <minsi>, %select_n3A_191, %reduce_min3A_192 [0] : vector<1024x1024xi32> to vector<1024xi32>
    %swap3A_194 = arith.constant 3 : index
    %swap3A_195 = arith.constant 0 : index
    %swap3A_196 = vector.load %arg3[%swap3A_194, %swap3A_195] : memref<8x1024xi32, #tpu.memory_space<vmem>>, vector<1x1024xi32>
    %swap3A_197 = vector.shape_cast %swap3A_196 : vector<1x1024xi32> to vector<1024xi32>
    %swap3A_198 = vector.shape_cast %reduce_min3A_193 : vector<1024xi32> to vector<1x1024xi32>
    tpu.vector_store %arg3[%swap3A_194, %swap3A_195], %swap3A_198 {strides = array<i32>} : memref<8x1024xi32, #tpu.memory_space<vmem>>, vector<1x1024xi32>,
    %mul3A_199 = arith.constant 8 : i32
    %mul3A_200 = arith.muli %arg0, %mul3A_199 : i32
    %add3A_201 = arith.constant 3 : i32
    %add3A_202 = arith.addi %mul3A_200, %add3A_201 : i32
    %mul3A_203 = arith.constant 1024 : i32
    %mul3A_204 = arith.muli %add3A_202, %mul3A_203 : i32
    %add3A_205 = vector.broadcast %mul3A_204 : i32 to vector<1024xi32>
    %add3A_206 = arith.addi %reduce_min3A_193, %add3A_205 : vector<1024xi32>
    %reshape3A_207 = vector.shape_cast %add3A_206 : vector<1024xi32> to vector<8x128xi32>
    %swap3A_208 = arith.constant 24 : index
    %swap3A_209 = arith.constant 0 : index
    %swap3A_210 = vector.load %arg4[%swap3A_208, %swap3A_209] : memref<64x128xi32, #tpu.memory_space<vmem>>, vector<8x128xi32>
    tpu.vector_store %arg4[%swap3A_208, %swap3A_209], %reshape3A_207 {strides = array<i32>} : memref<64x128xi32, #tpu.memory_space<vmem>>, vector<8x128xi32>,
    %mul3A_211 = arith.mulf %get3A_166, %get3A_166 : vector<1024x128xf32>
    %reduce_sum3A_212 = arith.constant dense<0.000000e+00> : vector<128xf32>
    %reduce_sum3A_213 = vector.multi_reduction <add>, %mul3A_211, %reduce_sum3A_212 [0] : vector<1024x128xf32> to vector<128xf32>
    %squeeze3A_214 = vector.shape_cast %broadcast_in_dim3A_185 : vector<1x1024xf32> to vector<1024xf32>
    %reshape3A_215 = vector.shape_cast %squeeze3A_214 : vector<1024xf32> to vector<8x128xf32>
    %reduce_sum3A_216 = arith.constant dense<0.000000e+00> : vector<128xf32>
    %reduce_sum3A_217 = vector.multi_reduction <add>, %reshape3A_215, %reduce_sum3A_216 [0] : vector<8x128xf32> to vector<128xf32>
    %add3A_218 = arith.addf %reduce_sum3A_213, %reduce_sum3A_217 : vector<128xf32>
    %add3A_219 = arith.addf %add3A_161, %add3A_218 : vector<128xf32>
    %get3A_220 = arith.constant 4 : index
    %get3A_221 = arith.constant 0 : index
    %get3A_222 = arith.constant 0 : index
    %get3A_223 = vector.load %arg1[%get3A_220, %get3A_221, %get3A_222] : memref<8x1024x128xf32, #tpu.memory_space<vmem>>, vector<1x1024x128xf32>
    %get3A_224 = vector.shape_cast %get3A_223 : vector<1x1024x128xf32> to vector<1024x128xf32>
    %get3A_225 = arith.constant 4 : index
    %get3A_226 = arith.constant 0 : index
    %get3A_227 = arith.constant 0 : index
    %get3A_228 = vector.load %arg2[%get3A_225, %get3A_226, %get3A_227] : memref<8x1024x128xf32, #tpu.memory_space<vmem>>, vector<1x1024x128xf32>
    %get3A_229 = vector.shape_cast %get3A_228 : vector<1x1024x128xf32> to vector<1024x128xf32>
    %mul3A_230 = arith.constant -2.000000e+00 : f32
    %mul3A_231 = vector.broadcast %mul3A_230 : f32 to vector<1024x128xf32>
    %mul3A_232 = arith.mulf %get3A_229, %mul3A_231 : vector<1024x128xf32>
    %dot_general3A_233 = arith.constant dense<0.000000e+00> : vector<1024x1024xf32>
    %dot_general3A_234 = tpu.matmul %mul3A_232, %get3A_224, %dot_general3A_233 {dimension_numbers = #tpu.dot_dimension_numbers<[1], [1], [0], [0], [0, 0, 1, 0], [], []>, transpose_lhs_hint = false} : vector<1024x128xf32>, vector<1024x128xf32>, vector<1024x1024xf32> -> vector<1024x1024xf32>
    %mul3A_235 = arith.mulf %get3A_229, %get3A_229 : vector<1024x128xf32>
    %reduce_sum3A_236 = arith.constant dense<0.000000e+00> : vector<1024xf32>
    %reduce_sum3A_237 = vector.multi_reduction <add>, %mul3A_235, %reduce_sum3A_236 [1] : vector<1024x128xf32> to vector<1024xf32>
    %broadcast_in_dim3A_238 = vector.shape_cast %reduce_sum3A_237 : vector<1024xf32> to vector<1024x1xf32>
    %add3A_239 = vector.broadcast %broadcast_in_dim3A_238 : vector<1024x1xf32> to vector<1024x1024xf32>
    %add3A_240 = arith.addf %dot_general3A_234, %add3A_239 : vector<1024x1024xf32>
    %reduce_min3A_241 = arith.constant dense<0x7F800000> : vector<1024xf32>
    %reduce_min3A_242 = vector.multi_reduction <minimumf>, %add3A_240, %reduce_min3A_241 [0] : vector<1024x1024xf32> to vector<1024xf32>
    %broadcast_in_dim3A_243 = vector.shape_cast %reduce_min3A_242 : vector<1024xf32> to vector<1x1024xf32>
    %iota3A_244 = tpu.iota {dimensions = array<i32: 0>} : vector<1024x1024xi32>
    %eq3A_245 = vector.broadcast %broadcast_in_dim3A_243 : vector<1x1024xf32> to vector<1024x1024xf32>
    %eq3A_246 = arith.cmpf oeq, %add3A_240, %eq3A_245 : vector<1024x1024xf32>
    %jit3A_247 = arith.constant 1024 : i32
    %broadcast_in_dim3A_248 = vector.broadcast %jit3A_247 : i32 to vector<1024x1024xi32>
    %select_n3A_249 = arith.select %eq3A_246, %iota3A_244, %broadcast_in_dim3A_248 : vector<1024x1024xi1>, vector<1024x1024xi32>
    %reduce_min3A_250 = arith.constant dense<2147483647> : vector<1024xi32>
    %reduce_min3A_251 = vector.multi_reduction <minsi>, %select_n3A_249, %reduce_min3A_250 [0] : vector<1024x1024xi32> to vector<1024xi32>
    %swap3A_252 = arith.constant 4 : index
    %swap3A_253 = arith.constant 0 : index
    %swap3A_254 = vector.load %arg3[%swap3A_252, %swap3A_253] : memref<8x1024xi32, #tpu.memory_space<vmem>>, vector<1x1024xi32>
    %swap3A_255 = vector.shape_cast %swap3A_254 : vector<1x1024xi32> to vector<1024xi32>
    %swap3A_256 = vector.shape_cast %reduce_min3A_251 : vector<1024xi32> to vector<1x1024xi32>
    tpu.vector_store %arg3[%swap3A_252, %swap3A_253], %swap3A_256 {strides = array<i32>} : memref<8x1024xi32, #tpu.memory_space<vmem>>, vector<1x1024xi32>,
    %mul3A_257 = arith.constant 8 : i32
    %mul3A_258 = arith.muli %arg0, %mul3A_257 : i32
    %add3A_259 = arith.constant 4 : i32
    %add3A_260 = arith.addi %mul3A_258, %add3A_259 : i32
    %mul3A_261 = arith.constant 1024 : i32
    %mul3A_262 = arith.muli %add3A_260, %mul3A_261 : i32
    %add3A_263 = vector.broadcast %mul3A_262 : i32 to vector<1024xi32>
    %add3A_264 = arith.addi %reduce_min3A_251, %add3A_263 : vector<1024xi32>
    %reshape3A_265 = vector.shape_cast %add3A_264 : vector<1024xi32> to vector<8x128xi32>
    %swap3A_266 = arith.constant 32 : index
    %swap3A_267 = arith.constant 0 : index
    %swap3A_268 = vector.load %arg4[%swap3A_266, %swap3A_267] : memref<64x128xi32, #tpu.memory_space<vmem>>, vector<8x128xi32>
    tpu.vector_store %arg4[%swap3A_266, %swap3A_267], %reshape3A_265 {strides = array<i32>} : memref<64x128xi32, #tpu.memory_space<vmem>>, vector<8x128xi32>,
    %mul3A_269 = arith.mulf %get3A_224, %get3A_224 : vector<1024x128xf32>
    %reduce_sum3A_270 = arith.constant dense<0.000000e+00> : vector<128xf32>
    %reduce_sum3A_271 = vector.multi_reduction <add>, %mul3A_269, %reduce_sum3A_270 [0] : vector<1024x128xf32> to vector<128xf32>
    %squeeze3A_272 = vector.shape_cast %broadcast_in_dim3A_243 : vector<1x1024xf32> to vector<1024xf32>
    %reshape3A_273 = vector.shape_cast %squeeze3A_272 : vector<1024xf32> to vector<8x128xf32>
    %reduce_sum3A_274 = arith.constant dense<0.000000e+00> : vector<128xf32>
    %reduce_sum3A_275 = vector.multi_reduction <add>, %reshape3A_273, %reduce_sum3A_274 [0] : vector<8x128xf32> to vector<128xf32>
    %add3A_276 = arith.addf %reduce_sum3A_271, %reduce_sum3A_275 : vector<128xf32>
    %add3A_277 = arith.addf %add3A_219, %add3A_276 : vector<128xf32>
    %get3A_278 = arith.constant 5 : index
    %get3A_279 = arith.constant 0 : index
    %get3A_280 = arith.constant 0 : index
    %get3A_281 = vector.load %arg1[%get3A_278, %get3A_279, %get3A_280] : memref<8x1024x128xf32, #tpu.memory_space<vmem>>, vector<1x1024x128xf32>
    %get3A_282 = vector.shape_cast %get3A_281 : vector<1x1024x128xf32> to vector<1024x128xf32>
    %get3A_283 = arith.constant 5 : index
    %get3A_284 = arith.constant 0 : index
    %get3A_285 = arith.constant 0 : index
    %get3A_286 = vector.load %arg2[%get3A_283, %get3A_284, %get3A_285] : memref<8x1024x128xf32, #tpu.memory_space<vmem>>, vector<1x1024x128xf32>
    %get3A_287 = vector.shape_cast %get3A_286 : vector<1x1024x128xf32> to vector<1024x128xf32>
    %mul3A_288 = arith.constant -2.000000e+00 : f32
    %mul3A_289 = vector.broadcast %mul3A_288 : f32 to vector<1024x128xf32>
    %mul3A_290 = arith.mulf %get3A_287, %mul3A_289 : vector<1024x128xf32>
    %dot_general3A_291 = arith.constant dense<0.000000e+00> : vector<1024x1024xf32>
    %dot_general3A_292 = tpu.matmul %mul3A_290, %get3A_282, %dot_general3A_291 {dimension_numbers = #tpu.dot_dimension_numbers<[1], [1], [0], [0], [0, 0, 1, 0], [], []>, transpose_lhs_hint = false} : vector<1024x128xf32>, vector<1024x128xf32>, vector<1024x1024xf32> -> vector<1024x1024xf32>
    %mul3A_293 = arith.mulf %get3A_287, %get3A_287 : vector<1024x128xf32>
    %reduce_sum3A_294 = arith.constant dense<0.000000e+00> : vector<1024xf32>
    %reduce_sum3A_295 = vector.multi_reduction <add>, %mul3A_293, %reduce_sum3A_294 [1] : vector<1024x128xf32> to vector<1024xf32>
    %broadcast_in_dim3A_296 = vector.shape_cast %reduce_sum3A_295 : vector<1024xf32> to vector<1024x1xf32>
    %add3A_297 = vector.broadcast %broadcast_in_dim3A_296 : vector<1024x1xf32> to vector<1024x1024xf32>
    %add3A_298 = arith.addf %dot_general3A_292, %add3A_297 : vector<1024x1024xf32>
    %reduce_min3A_299 = arith.constant dense<0x7F800000> : vector<1024xf32>
    %reduce_min3A_300 = vector.multi_reduction <minimumf>, %add3A_298, %reduce_min3A_299 [0] : vector<1024x1024xf32> to vector<1024xf32>
    %broadcast_in_dim3A_301 = vector.shape_cast %reduce_min3A_300 : vector<1024xf32> to vector<1x1024xf32>
    %iota3A_302 = tpu.iota {dimensions = array<i32: 0>} : vector<1024x1024xi32>
    %eq3A_303 = vector.broadcast %broadcast_in_dim3A_301 : vector<1x1024xf32> to vector<1024x1024xf32>
    %eq3A_304 = arith.cmpf oeq, %add3A_298, %eq3A_303 : vector<1024x1024xf32>
    %jit3A_305 = arith.constant 1024 : i32
    %broadcast_in_dim3A_306 = vector.broadcast %jit3A_305 : i32 to vector<1024x1024xi32>
    %select_n3A_307 = arith.select %eq3A_304, %iota3A_302, %broadcast_in_dim3A_306 : vector<1024x1024xi1>, vector<1024x1024xi32>
    %reduce_min3A_308 = arith.constant dense<2147483647> : vector<1024xi32>
    %reduce_min3A_309 = vector.multi_reduction <minsi>, %select_n3A_307, %reduce_min3A_308 [0] : vector<1024x1024xi32> to vector<1024xi32>
    %swap3A_310 = arith.constant 5 : index
    %swap3A_311 = arith.constant 0 : index
    %swap3A_312 = vector.load %arg3[%swap3A_310, %swap3A_311] : memref<8x1024xi32, #tpu.memory_space<vmem>>, vector<1x1024xi32>
    %swap3A_313 = vector.shape_cast %swap3A_312 : vector<1x1024xi32> to vector<1024xi32>
    %swap3A_314 = vector.shape_cast %reduce_min3A_309 : vector<1024xi32> to vector<1x1024xi32>
    tpu.vector_store %arg3[%swap3A_310, %swap3A_311], %swap3A_314 {strides = array<i32>} : memref<8x1024xi32, #tpu.memory_space<vmem>>, vector<1x1024xi32>,
    %mul3A_315 = arith.constant 8 : i32
    %mul3A_316 = arith.muli %arg0, %mul3A_315 : i32
    %add3A_317 = arith.constant 5 : i32
    %add3A_318 = arith.addi %mul3A_316, %add3A_317 : i32
    %mul3A_319 = arith.constant 1024 : i32
    %mul3A_320 = arith.muli %add3A_318, %mul3A_319 : i32
    %add3A_321 = vector.broadcast %mul3A_320 : i32 to vector<1024xi32>
    %add3A_322 = arith.addi %reduce_min3A_309, %add3A_321 : vector<1024xi32>
    %reshape3A_323 = vector.shape_cast %add3A_322 : vector<1024xi32> to vector<8x128xi32>
    %swap3A_324 = arith.constant 40 : index
    %swap3A_325 = arith.constant 0 : index
    %swap3A_326 = vector.load %arg4[%swap3A_324, %swap3A_325] : memref<64x128xi32, #tpu.memory_space<vmem>>, vector<8x128xi32>
    tpu.vector_store %arg4[%swap3A_324, %swap3A_325], %reshape3A_323 {strides = array<i32>} : memref<64x128xi32, #tpu.memory_space<vmem>>, vector<8x128xi32>,
    %mul3A_327 = arith.mulf %get3A_282, %get3A_282 : vector<1024x128xf32>
    %reduce_sum3A_328 = arith.constant dense<0.000000e+00> : vector<128xf32>
    %reduce_sum3A_329 = vector.multi_reduction <add>, %mul3A_327, %reduce_sum3A_328 [0] : vector<1024x128xf32> to vector<128xf32>
    %squeeze3A_330 = vector.shape_cast %broadcast_in_dim3A_301 : vector<1x1024xf32> to vector<1024xf32>
    %reshape3A_331 = vector.shape_cast %squeeze3A_330 : vector<1024xf32> to vector<8x128xf32>
    %reduce_sum3A_332 = arith.constant dense<0.000000e+00> : vector<128xf32>
    %reduce_sum3A_333 = vector.multi_reduction <add>, %reshape3A_331, %reduce_sum3A_332 [0] : vector<8x128xf32> to vector<128xf32>
    %add3A_334 = arith.addf %reduce_sum3A_329, %reduce_sum3A_333 : vector<128xf32>
    %add3A_335 = arith.addf %add3A_277, %add3A_334 : vector<128xf32>
    %get3A_336 = arith.constant 6 : index
    %get3A_337 = arith.constant 0 : index
    %get3A_338 = arith.constant 0 : index
    %get3A_339 = vector.load %arg1[%get3A_336, %get3A_337, %get3A_338] : memref<8x1024x128xf32, #tpu.memory_space<vmem>>, vector<1x1024x128xf32>
    %get3A_340 = vector.shape_cast %get3A_339 : vector<1x1024x128xf32> to vector<1024x128xf32>
    %get3A_341 = arith.constant 6 : index
    %get3A_342 = arith.constant 0 : index
    %get3A_343 = arith.constant 0 : index
    %get3A_344 = vector.load %arg2[%get3A_341, %get3A_342, %get3A_343] : memref<8x1024x128xf32, #tpu.memory_space<vmem>>, vector<1x1024x128xf32>
    %get3A_345 = vector.shape_cast %get3A_344 : vector<1x1024x128xf32> to vector<1024x128xf32>
    %mul3A_346 = arith.constant -2.000000e+00 : f32
    %mul3A_347 = vector.broadcast %mul3A_346 : f32 to vector<1024x128xf32>
    %mul3A_348 = arith.mulf %get3A_345, %mul3A_347 : vector<1024x128xf32>
    %dot_general3A_349 = arith.constant dense<0.000000e+00> : vector<1024x1024xf32>
    %dot_general3A_350 = tpu.matmul %mul3A_348, %get3A_340, %dot_general3A_349 {dimension_numbers = #tpu.dot_dimension_numbers<[1], [1], [0], [0], [0, 0, 1, 0], [], []>, transpose_lhs_hint = false} : vector<1024x128xf32>, vector<1024x128xf32>, vector<1024x1024xf32> -> vector<1024x1024xf32>
    %mul3A_351 = arith.mulf %get3A_345, %get3A_345 : vector<1024x128xf32>
    %reduce_sum3A_352 = arith.constant dense<0.000000e+00> : vector<1024xf32>
    %reduce_sum3A_353 = vector.multi_reduction <add>, %mul3A_351, %reduce_sum3A_352 [1] : vector<1024x128xf32> to vector<1024xf32>
    %broadcast_in_dim3A_354 = vector.shape_cast %reduce_sum3A_353 : vector<1024xf32> to vector<1024x1xf32>
    %add3A_355 = vector.broadcast %broadcast_in_dim3A_354 : vector<1024x1xf32> to vector<1024x1024xf32>
    %add3A_356 = arith.addf %dot_general3A_350, %add3A_355 : vector<1024x1024xf32>
    %reduce_min3A_357 = arith.constant dense<0x7F800000> : vector<1024xf32>
    %reduce_min3A_358 = vector.multi_reduction <minimumf>, %add3A_356, %reduce_min3A_357 [0] : vector<1024x1024xf32> to vector<1024xf32>
    %broadcast_in_dim3A_359 = vector.shape_cast %reduce_min3A_358 : vector<1024xf32> to vector<1x1024xf32>
    %iota3A_360 = tpu.iota {dimensions = array<i32: 0>} : vector<1024x1024xi32>
    %eq3A_361 = vector.broadcast %broadcast_in_dim3A_359 : vector<1x1024xf32> to vector<1024x1024xf32>
    %eq3A_362 = arith.cmpf oeq, %add3A_356, %eq3A_361 : vector<1024x1024xf32>
    %jit3A_363 = arith.constant 1024 : i32
    %broadcast_in_dim3A_364 = vector.broadcast %jit3A_363 : i32 to vector<1024x1024xi32>
    %select_n3A_365 = arith.select %eq3A_362, %iota3A_360, %broadcast_in_dim3A_364 : vector<1024x1024xi1>, vector<1024x1024xi32>
    %reduce_min3A_366 = arith.constant dense<2147483647> : vector<1024xi32>
    %reduce_min3A_367 = vector.multi_reduction <minsi>, %select_n3A_365, %reduce_min3A_366 [0] : vector<1024x1024xi32> to vector<1024xi32>
    %swap3A_368 = arith.constant 6 : index
    %swap3A_369 = arith.constant 0 : index
    %swap3A_370 = vector.load %arg3[%swap3A_368, %swap3A_369] : memref<8x1024xi32, #tpu.memory_space<vmem>>, vector<1x1024xi32>
    %swap3A_371 = vector.shape_cast %swap3A_370 : vector<1x1024xi32> to vector<1024xi32>
    %swap3A_372 = vector.shape_cast %reduce_min3A_367 : vector<1024xi32> to vector<1x1024xi32>
    tpu.vector_store %arg3[%swap3A_368, %swap3A_369], %swap3A_372 {strides = array<i32>} : memref<8x1024xi32, #tpu.memory_space<vmem>>, vector<1x1024xi32>,
    %mul3A_373 = arith.constant 8 : i32
    %mul3A_374 = arith.muli %arg0, %mul3A_373 : i32
    %add3A_375 = arith.constant 6 : i32
    %add3A_376 = arith.addi %mul3A_374, %add3A_375 : i32
    %mul3A_377 = arith.constant 1024 : i32
    %mul3A_378 = arith.muli %add3A_376, %mul3A_377 : i32
    %add3A_379 = vector.broadcast %mul3A_378 : i32 to vector<1024xi32>
    %add3A_380 = arith.addi %reduce_min3A_367, %add3A_379 : vector<1024xi32>
    %reshape3A_381 = vector.shape_cast %add3A_380 : vector<1024xi32> to vector<8x128xi32>
    %swap3A_382 = arith.constant 48 : index
    %swap3A_383 = arith.constant 0 : index
    %swap3A_384 = vector.load %arg4[%swap3A_382, %swap3A_383] : memref<64x128xi32, #tpu.memory_space<vmem>>, vector<8x128xi32>
    tpu.vector_store %arg4[%swap3A_382, %swap3A_383], %reshape3A_381 {strides = array<i32>} : memref<64x128xi32, #tpu.memory_space<vmem>>, vector<8x128xi32>,
    %mul3A_385 = arith.mulf %get3A_340, %get3A_340 : vector<1024x128xf32>
    %reduce_sum3A_386 = arith.constant dense<0.000000e+00> : vector<128xf32>
    %reduce_sum3A_387 = vector.multi_reduction <add>, %mul3A_385, %reduce_sum3A_386 [0] : vector<1024x128xf32> to vector<128xf32>
    %squeeze3A_388 = vector.shape_cast %broadcast_in_dim3A_359 : vector<1x1024xf32> to vector<1024xf32>
    %reshape3A_389 = vector.shape_cast %squeeze3A_388 : vector<1024xf32> to vector<8x128xf32>
    %reduce_sum3A_390 = arith.constant dense<0.000000e+00> : vector<128xf32>
    %reduce_sum3A_391 = vector.multi_reduction <add>, %reshape3A_389, %reduce_sum3A_390 [0] : vector<8x128xf32> to vector<128xf32>
    %add3A_392 = arith.addf %reduce_sum3A_387, %reduce_sum3A_391 : vector<128xf32>
    %add3A_393 = arith.addf %add3A_335, %add3A_392 : vector<128xf32>
    %get3A_394 = arith.constant 7 : index
    %get3A_395 = arith.constant 0 : index
    %get3A_396 = arith.constant 0 : index
    %get3A_397 = vector.load %arg1[%get3A_394, %get3A_395, %get3A_396] : memref<8x1024x128xf32, #tpu.memory_space<vmem>>, vector<1x1024x128xf32>
    %get3A_398 = vector.shape_cast %get3A_397 : vector<1x1024x128xf32> to vector<1024x128xf32>
    %get3A_399 = arith.constant 7 : index
    %get3A_400 = arith.constant 0 : index
    %get3A_401 = arith.constant 0 : index
    %get3A_402 = vector.load %arg2[%get3A_399, %get3A_400, %get3A_401] : memref<8x1024x128xf32, #tpu.memory_space<vmem>>, vector<1x1024x128xf32>
    %get3A_403 = vector.shape_cast %get3A_402 : vector<1x1024x128xf32> to vector<1024x128xf32>
    %mul3A_404 = arith.constant -2.000000e+00 : f32
    %mul3A_405 = vector.broadcast %mul3A_404 : f32 to vector<1024x128xf32>
    %mul3A_406 = arith.mulf %get3A_403, %mul3A_405 : vector<1024x128xf32>
    %dot_general3A_407 = arith.constant dense<0.000000e+00> : vector<1024x1024xf32>
    %dot_general3A_408 = tpu.matmul %mul3A_406, %get3A_398, %dot_general3A_407 {dimension_numbers = #tpu.dot_dimension_numbers<[1], [1], [0], [0], [0, 0, 1, 0], [], []>, transpose_lhs_hint = false} : vector<1024x128xf32>, vector<1024x128xf32>, vector<1024x1024xf32> -> vector<1024x1024xf32>
    %mul3A_409 = arith.mulf %get3A_403, %get3A_403 : vector<1024x128xf32>
    %reduce_sum3A_410 = arith.constant dense<0.000000e+00> : vector<1024xf32>
    %reduce_sum3A_411 = vector.multi_reduction <add>, %mul3A_409, %reduce_sum3A_410 [1] : vector<1024x128xf32> to vector<1024xf32>
    %broadcast_in_dim3A_412 = vector.shape_cast %reduce_sum3A_411 : vector<1024xf32> to vector<1024x1xf32>
    %add3A_413 = vector.broadcast %broadcast_in_dim3A_412 : vector<1024x1xf32> to vector<1024x1024xf32>
    %add3A_414 = arith.addf %dot_general3A_408, %add3A_413 : vector<1024x1024xf32>
    %reduce_min3A_415 = arith.constant dense<0x7F800000> : vector<1024xf32>
    %reduce_min3A_416 = vector.multi_reduction <minimumf>, %add3A_414, %reduce_min3A_415 [0] : vector<1024x1024xf32> to vector<1024xf32>
    %broadcast_in_dim3A_417 = vector.shape_cast %reduce_min3A_416 : vector<1024xf32> to vector<1x1024xf32>
    %iota3A_418 = tpu.iota {dimensions = array<i32: 0>} : vector<1024x1024xi32>
    %eq3A_419 = vector.broadcast %broadcast_in_dim3A_417 : vector<1x1024xf32> to vector<1024x1024xf32>
    %eq3A_420 = arith.cmpf oeq, %add3A_414, %eq3A_419 : vector<1024x1024xf32>
    %jit3A_421 = arith.constant 1024 : i32
    %broadcast_in_dim3A_422 = vector.broadcast %jit3A_421 : i32 to vector<1024x1024xi32>
    %select_n3A_423 = arith.select %eq3A_420, %iota3A_418, %broadcast_in_dim3A_422 : vector<1024x1024xi1>, vector<1024x1024xi32>
    %reduce_min3A_424 = arith.constant dense<2147483647> : vector<1024xi32>
    %reduce_min3A_425 = vector.multi_reduction <minsi>, %select_n3A_423, %reduce_min3A_424 [0] : vector<1024x1024xi32> to vector<1024xi32>
    %swap3A_426 = arith.constant 7 : index
    %swap3A_427 = arith.constant 0 : index
    %swap3A_428 = vector.load %arg3[%swap3A_426, %swap3A_427] : memref<8x1024xi32, #tpu.memory_space<vmem>>, vector<1x1024xi32>
    %swap3A_429 = vector.shape_cast %swap3A_428 : vector<1x1024xi32> to vector<1024xi32>
    %swap3A_430 = vector.shape_cast %reduce_min3A_425 : vector<1024xi32> to vector<1x1024xi32>
    tpu.vector_store %arg3[%swap3A_426, %swap3A_427], %swap3A_430 {strides = array<i32>} : memref<8x1024xi32, #tpu.memory_space<vmem>>, vector<1x1024xi32>,
    %mul3A_431 = arith.constant 8 : i32
    %mul3A_432 = arith.muli %arg0, %mul3A_431 : i32
    %add3A_433 = arith.constant 7 : i32
    %add3A_434 = arith.addi %mul3A_432, %add3A_433 : i32
    %mul3A_435 = arith.constant 1024 : i32
    %mul3A_436 = arith.muli %add3A_434, %mul3A_435 : i32
    %add3A_437 = vector.broadcast %mul3A_436 : i32 to vector<1024xi32>
    %add3A_438 = arith.addi %reduce_min3A_425, %add3A_437 : vector<1024xi32>
    %reshape3A_439 = vector.shape_cast %add3A_438 : vector<1024xi32> to vector<8x128xi32>
    %swap3A_440 = arith.constant 56 : index
    %swap3A_441 = arith.constant 0 : index
    %swap3A_442 = vector.load %arg4[%swap3A_440, %swap3A_441] : memref<64x128xi32, #tpu.memory_space<vmem>>, vector<8x128xi32>
    tpu.vector_store %arg4[%swap3A_440, %swap3A_441], %reshape3A_439 {strides = array<i32>} : memref<64x128xi32, #tpu.memory_space<vmem>>, vector<8x128xi32>,
    %mul3A_443 = arith.mulf %get3A_398, %get3A_398 : vector<1024x128xf32>
    %reduce_sum3A_444 = arith.constant dense<0.000000e+00> : vector<128xf32>
    %reduce_sum3A_445 = vector.multi_reduction <add>, %mul3A_443, %reduce_sum3A_444 [0] : vector<1024x128xf32> to vector<128xf32>
    %squeeze3A_446 = vector.shape_cast %broadcast_in_dim3A_417 : vector<1x1024xf32> to vector<1024xf32>
    %reshape3A_447 = vector.shape_cast %squeeze3A_446 : vector<1024xf32> to vector<8x128xf32>
    %reduce_sum3A_448 = arith.constant dense<0.000000e+00> : vector<128xf32>
    %reduce_sum3A_449 = vector.multi_reduction <add>, %reshape3A_447, %reduce_sum3A_448 [0] : vector<8x128xf32> to vector<128xf32>
    %add3A_450 = arith.addf %reduce_sum3A_445, %reduce_sum3A_449 : vector<128xf32>
    %add3A_451 = arith.addf %add3A_393, %add3A_450 : vector<128xf32>
    %eq3A_452 = arith.constant 0 : i32
    %eq3A_453 = arith.cmpi eq, %arg0, %eq3A_452 : i32
    %convert_element_type3A = arith.extui %eq3A_453 : i1 to i32
    %cond3A = arith.constant 0 : i32
    %cond3A_454 = arith.cmpi ne, %convert_element_type3A, %cond3A : i32
    scf.if %cond3A_454 {
      %broadcast_in_dim3A_465 = arith.constant 0.000000e+00 : f32
      %broadcast_in_dim3A_466 = vector.broadcast %broadcast_in_dim3A_465 : f32 to vector<8x128xf32>
      %swap3A_467 = arith.constant 0 : index
      %swap3A_468 = arith.constant 0 : index
      %swap3A_469 = vector.load %arg5[%swap3A_467, %swap3A_468] : memref<8x128xf32, #tpu.memory_space<vmem>>, vector<8x128xf32>
      tpu.vector_store %arg5[%swap3A_467, %swap3A_468], %broadcast_in_dim3A_466 {strides = array<i32>} : memref<8x128xf32, #tpu.memory_space<vmem>>, vector<8x128xf32>,
    } else {
    }
    %get3A_455 = arith.constant 0 : index
    %get3A_456 = arith.constant 0 : index
    %get3A_457 = vector.load %arg5[%get3A_455, %get3A_456] : memref<8x128xf32, #tpu.memory_space<vmem>>, vector<1x128xf32>
    %get3A_458 = vector.shape_cast %get3A_457 : vector<1x128xf32> to vector<128xf32>
    %add3A_459 = arith.addf %get3A_458, %add3A_451 : vector<128xf32>
    %swap3A_460 = arith.constant 0 : index
    %swap3A_461 = arith.constant 0 : index
    %swap3A_462 = vector.load %arg5[%swap3A_460, %swap3A_461] : memref<8x128xf32, #tpu.memory_space<vmem>>, vector<1x128xf32>
    %swap3A_463 = vector.shape_cast %swap3A_462 : vector<1x128xf32> to vector<128xf32>
    %swap3A_464 = vector.shape_cast %add3A_459 : vector<128xf32> to vector<1x128xf32>
    tpu.vector_store %arg5[%swap3A_460, %swap3A_461], %swap3A_464 {strides = array<i32>} : memref<8x128xf32, #tpu.memory_space<vmem>>, vector<1x128xf32>,
    return
  }
  func.func @transform_0(%arg0: i32) -> (i32, i32, i32) {
    %c0_i32 = arith.constant 0 : i32
    %c0_i32_0 = arith.constant 0 : i32
    %c0_i32_1 = arith.constant 0 : i32
    return %arg0, %c0_i32, %c0_i32_0 : i32, i32, i32
  }
  func.func @transform_1(%arg0: i32) -> (i32, i32, i32) {
    %c0_i32 = arith.constant 0 : i32
    %c0_i32_0 = arith.constant 0 : i32
    %c0_i32_1 = arith.constant 0 : i32
    return %arg0, %c0_i32, %c0_i32_0 : i32, i32, i32
  }
  func.func @transform_2(%arg0: i32) -> (i32, i32) {
    %c0_i32 = arith.constant 0 : i32
    %c0_i32_0 = arith.constant 0 : i32
    return %arg0, %c0_i32 : i32, i32
  }
  func.func @transform_3(%arg0: i32) -> (i32, i32) {
    %c0_i32 = arith.constant 0 : i32
    %c0_i32_0 = arith.constant 0 : i32
    return %arg0, %c0_i32 : i32, i32
  }
  func.func @transform_4(%arg0: i32) -> (i32, i32) {
    %c0_i32 = arith.constant 0 : i32
    %c0_i32_0 = arith.constant 0 : i32
    %c0_i32_1 = arith.constant 0 : i32
    return %c0_i32, %c0_i32_0 : i32, i32
  }
}

module attributes {stable_mosaic.version = 14 : i64} {
  func.func @_codebook_body(%arg0: i32, %arg1: memref<128x128x128xf32, #tpu.memory_space<vmem>>, %arg2: memref<3x16x128xf32, #tpu.memory_space<vmem>>, %arg3: memref<16x128x128xf32, #tpu.memory_space<vmem>>) attributes {dimension_semantics = [#tpu.dimension_semantics<arbitrary>], iteration_bounds = array<i64: 8>, scalar_prefetch = 0 : i64, scratch_operands = 0 : i64, tpu.core_type = #tpu.core_type<tc>, window_params = [{transform_indices = @transform_0, window_bounds = array<i64: 128, 128, 128>}, {pipeline_mode = #tpu.pipeline_mode<synchronous>, transform_indices = @transform_1, window_bounds = array<i64: 3, 16, 128>}, {transform_indices = @transform_2, window_bounds = array<i64: 16, 128, 128>}]} {
    %get3A = arith.constant 0 : index
    %get3A_0 = arith.constant 0 : index
    %get3A_1 = arith.constant 0 : index
    %get3A_2 = vector.load %arg1[%get3A, %get3A_0, %get3A_1] : memref<128x128x128xf32, #tpu.memory_space<vmem>>, vector<128x128x128xf32>
    %get3A_3 = arith.constant 2 : index
    %get3A_4 = arith.constant 0 : index
    %get3A_5 = arith.constant 0 : index
    %get3A_6 = vector.load %arg2[%get3A_3, %get3A_4, %get3A_5] : memref<3x16x128xf32, #tpu.memory_space<vmem>>, vector<1x16x128xf32>
    %get3A_7 = vector.shape_cast %get3A_6 : vector<1x16x128xf32> to vector<16x128xf32>
    %transpose3A = tpu.transpose %get3A_7, [1, 0] : vector<16x128xf32> -> vector<128x16xf32>
    %get3A_8 = arith.constant 1 : index
    %get3A_9 = arith.constant 0 : index
    %get3A_10 = arith.constant 0 : index
    %get3A_11 = vector.load %arg2[%get3A_8, %get3A_9, %get3A_10] : memref<3x16x128xf32, #tpu.memory_space<vmem>>, vector<1x16x128xf32>
    %get3A_12 = vector.shape_cast %get3A_11 : vector<1x16x128xf32> to vector<16x128xf32>
    %transpose3A_13 = tpu.transpose %get3A_12, [1, 0] : vector<16x128xf32> -> vector<128x16xf32>
    %reshape3A = vector.shape_cast %get3A_2 : vector<128x128x128xf32> to vector<16384x128xf32>
    %dot_general3A = arith.constant dense<0.000000e+00> : vector<16384x16xf32>
    %dot_general3A_14 = tpu.matmul %reshape3A, %transpose3A, %dot_general3A {dimension_numbers = #tpu.dot_dimension_numbers<[1], [0], [0], [1], [0, 0, 1, 1], [], []>, transpose_lhs_hint = false} : vector<16384x128xf32>, vector<128x16xf32>, vector<16384x16xf32> -> vector<16384x16xf32>
    %reshape3A_15 = vector.shape_cast %dot_general3A_14 : vector<16384x16xf32> to vector<128x128x16xf32>
    %mul3A = arith.mulf %reshape3A_15, %reshape3A_15 : vector<128x128x16xf32>
    %reduce_sum3A = arith.constant dense<0.000000e+00> : vector<128x16xf32>
    %reduce_sum3A_16 = vector.multi_reduction <add>, %mul3A, %reduce_sum3A [1] : vector<128x128x16xf32> to vector<128x16xf32>
    %broadcast_in_dim3A = vector.shape_cast %reduce_sum3A_16 : vector<128x16xf32> to vector<128x1x16xf32>
    %sqrt3A = math.sqrt %broadcast_in_dim3A : vector<128x1x16xf32>
    %div3A = vector.broadcast %sqrt3A : vector<128x1x16xf32> to vector<128x128x16xf32>
    %div3A_17 = arith.divf %reshape3A_15, %div3A : vector<128x128x16xf32>
    %broadcast_in_dim3A_18 = vector.shape_cast %transpose3A_13 : vector<128x16xf32> to vector<1x128x16xf32>
    %add3A = vector.broadcast %broadcast_in_dim3A_18 : vector<1x128x16xf32> to vector<128x128x16xf32>
    %add3A_19 = arith.addf %div3A_17, %add3A : vector<128x128x16xf32>
    %transpose3A_20 = tpu.transpose %add3A_19, [2, 0, 1] : vector<128x128x16xf32> -> vector<16x128x128xf32>
    %swap3A = arith.constant 0 : index
    %swap3A_21 = arith.constant 0 : index
    %swap3A_22 = arith.constant 0 : index
    %swap3A_23 = vector.load %arg3[%swap3A, %swap3A_21, %swap3A_22] : memref<16x128x128xf32, #tpu.memory_space<vmem>>, vector<16x128x128xf32>
    tpu.vector_store %arg3[%swap3A, %swap3A_21, %swap3A_22], %transpose3A_20 {strides = array<i32>} : memref<16x128x128xf32, #tpu.memory_space<vmem>>, vector<16x128x128xf32>,
    return
  }
  func.func @transform_0(%arg0: i32) -> (i32, i32, i32) {
    %c0_i32 = arith.constant 0 : i32
    %c0_i32_0 = arith.constant 0 : i32
    %c0_i32_1 = arith.constant 0 : i32
    return %arg0, %c0_i32, %c0_i32_0 : i32, i32, i32
  }
  func.func @transform_1(%arg0: i32) -> (i32, i32, i32) {
    %c0_i32 = arith.constant 0 : i32
    %c0_i32_0 = arith.constant 0 : i32
    %c0_i32_1 = arith.constant 0 : i32
    %c0_i32_2 = arith.constant 0 : i32
    return %c0_i32, %c0_i32_0, %c0_i32_1 : i32, i32, i32
  }
  func.func @transform_2(%arg0: i32) -> (i32, i32, i32) {
    %c0_i32 = arith.constant 0 : i32
    %c0_i32_0 = arith.constant 0 : i32
    %c0_i32_1 = arith.constant 0 : i32
    return %c0_i32, %arg0, %c0_i32_0 : i32, i32, i32
  }
}

</mosaic_0001>

<sc_bundles>
// kernel: kernel.5.cloned.1.call-start
scs
__scs_entry_jumppad:
0x0: {  	(pc) =	sbr.rel $0x88, $3  }
0x1: {  	(tag) =	ssettag $0x0;
	lr =	simm.s32 $0x1  }
0x2: {  	[smem:$0x3F9E] =	sst lr;
	_ =	strace $0xD0000000  }
0x3: {  	_ = 	snop  }
0x4: {  	_ = 	snop  }
0x5: {  	_ = 	snop  }
0x6: {  	_ = 	snop  }
0x7: {  	_ = 	snop  }
__scs_overlays_trampoline_lowered:
0x8: {  	[smem:$0x3FAD] =	sst s0  }
0x9: {  	[smem:$0x3FAE] =	sst s1  }
0xa: {  	[smem:$0x3FAF] =	sst s2  }
0xb: {  	[smem:$0x3FB0] =	sst s3  }
0xc: {  	[smem:$0x3FB1] =	sst s4  }
0xd: {  	[smem:$0x3FB2] =	sst s5  }
0xe: {  	[smem:$0x3FB3] =	sst s6  }
0xf: {  	[smem:$0x3FB4] =	sst s7  }
0x10: {  	[smem:$0x3FB5] =	sst s8  }
0x11: {  	[smem:$0x3FB6] =	sst s9;
	s0 =	simm.s32 @!p0 $0x0  }
0x12: {  	s1 =	sld [smem:$0x3F9C];
	s0 =	simm.s32 @p0 $0x1  }
0x13: {  	[smem:$0x3FB7] =	sst s0;
	s0 =	simm.s32 @!p1 $0x0  }
0x14: {  	s2 =	sld [smem:$0x3F9B];
	s0 =	simm.s32 @p1 $0x1  }
0x15: {  	[smem:$0x3FB8] =	sst s0;
	s0 =	simm.s32 @!p2 $0x0  }
0x16: {  	s3 =	sld [smem:$0x3FDB];
	s0 =	simm.s32 @p2 $0x1  }
0x17: {  	s4 =	simm.s32 $0x1BF5;
	[smem:$0x3FBA] =	sst s0  }
0x18: {  	s0 =	sld [smem:$0x3F9D];
	_ =	swait.ge [sflag:s4], $0x0  }
0x19: {  	s7 =	sld [smem:$0x3F9E]  }
0x1a: {  	s8 =	sadd.s32 $0xFFFFE003, lr  }
0x1b: {  	s9 =	sadd.s32 $0xFFFFFEF7, lr;
	s5 =	simm.s32 $0xFFFFFFFF;
	p2 =	slt.u32 s8, $0xFFFFF086  }
0x1c: {  	p1 =	slt.u32 s9, $0xF7A;
	s5 =	simm.s32 @!p2 $0x0  }
0x1d: {  	s5 =	simm.s32 @p1 $0x1;
	p0 =	seq.s32 s7, s2  }
0x1e: {  	s7 =	smul.u32 @!p0 $0xF7A, s2;
	p2 =	seq.s32 @!p0 s5, $0x0  }
0x1f: {  	s9 =	smul.u32 $0xF7A, s1;
	s8 =	simm.s32 @!p0 $0x1BF5;
	p2 =	por !p2, p0  }
0x20: {  	[sflag:s8] =	ssyncset.s32 @!p0 $0xFFFFF086;
	s6 =	sadd.s32 @!p0 s3, s7;
	s7 =	simm.s32 @!p0 $0x108  }
0x21: {  	s3 =	sadd.s32 s3, s9;
	s6 =	sadd.s32 @!p0 $0x88, s6;
	s7 =	simm.s32 @p2 $0x1082  }
0x22: {  	[simem:s7], [sflag:s8] =	dma.local @!p0 [hbm:s6], $0xF7A  }
0x23: {  	s9 =	sor.u32 $0xD0000000, s2;
	s6 =	simm.s32 $0x108;
	_ =	swait.ge @!p0 [sflag:s8], $0x0  }
0x24: {  	s3 =	sadd.s32 $0x88, s3;
	s6 =	simm.s32 @!p1 $0x1082;
	[sflag:s4] =	ssyncset.s32 $0xFFFFF086  }
0x25: {  	[simem:s6], [sflag:s4] =	dma.local [hbm:s3], $0xF7A  }
0x26: {  	[smem:$0x3F9E] =	sst s1;
	(tag) =	ssettag s2;
	_ =	strace s9  }
0x27: {  	s1 =	sld [smem:$0x3FAE]  }
0x28: {  	s2 =	sld [smem:$0x3FAF]  }
0x29: {  	s4 =	sld [smem:$0x3FB1]  }
0x2a: {  	p0 =	seq.s32 s5, $0x0;
	s5 =	sld [smem:$0x3FB2]  }
0x2b: {  	s6 =	sld [smem:$0x3FB3]  }
0x2c: {  	s7 =	sld [smem:$0x3FB4]  }
0x2d: {  	s3 =	simm.s32 $0x108;
	s8 =	sld [smem:$0x3FB5]  }
0x2e: {  	s3 =	simm.s32 @!p0 $0x1082;
	s9 =	sld [smem:$0x3FB6]  }
0x2f: {  	lr =	sadd.s32 s0, s3;
	s0 =	sld [smem:$0x3FAD]  }
0x30: {  	s3 =	sld [smem:$0x3FB0]  }
0x31: {  	[smem:$0x3FB9] =	sst s10  }
0x32: {  	s10 =	sld [smem:$0x3FB7];
	_ =	sdelay $0x3  }
0x33: {  	p0 =	seq.s32 s10, $0x1;
	s10 =	sld [smem:$0x3FB9];
	_ =	sdelay $0x3  }
0x34: {  	[smem:$0x3FB9] =	sst s10  }
0x35: {  	s10 =	sld [smem:$0x3FB8];
	_ =	sdelay $0x3  }
0x36: {  	p1 =	seq.s32 s10, $0x1;
	s10 =	sld [smem:$0x3FB9];
	_ =	sdelay $0x3  }
0x37: {  	[smem:$0x3FB9] =	sst s10  }
0x38: {  	s10 =	sld [smem:$0x3FBA]  }
0x39: {  	_ = 	snop;
	(pc) =	sbr.ind lr, $3  }
0x3a: {  	_ = 	snop  }
0x3b: {  	_ = 	snop  }
0x3c: {  	p2 =	seq.s32 s10, $0x1;
	s10 =	sld [smem:$0x3FB9]  }
0x3d: {  	_ =	shalt  }
0x3e: {  	_ =	shalt  }
0x3f: {  	_ =	shalt  }
0x40: {  	_ =	shalt  }
0x41: {  	_ =	shalt  }
0x42: {  	_ =	shalt  }
0x43: {  	_ =	shalt  }
0x44: {  	_ =	shalt  }
0x45: {  	_ =	shalt  }
0x46: {  	_ =	shalt  }
0x47: {  	_ =	shalt  }
0x48: {  	_ =	shalt  }
0x49: {  	_ =	shalt  }
0x4a: {  	_ =	shalt  }
0x4b: {  	_ =	shalt  }
0x4c: {  	_ =	shalt  }
0x4d: {  	_ =	shalt  }
0x4e: {  	_ =	shalt  }
0x4f: {  	_ =	shalt  }
0x50: {  	_ =	shalt  }
0x51: {  	_ =	shalt  }
0x52: {  	_ =	shalt  }
0x53: {  	_ =	shalt  }
0x54: {  	_ =	shalt  }
0x55: {  	_ =	shalt  }
0x56: {  	_ =	shalt  }
0x57: {  	_ =	shalt  }
0x58: {  	_ =	shalt  }
0x59: {  	_ =	shalt  }
0x5a: {  	_ =	shalt  }
0x5b: {  	_ =	shalt  }
0x5c: {  	_ =	shalt  }
0x5d: {  	_ =	shalt  }
0x5e: {  	_ =	shalt  }
0x5f: {  	_ =	shalt  }
0x60: {  	_ =	shalt  }
0x61: {  	_ =	shalt  }
0x62: {  	_ =	shalt  }
0x63: {  	_ =	shalt  }
0x64: {  	_ =	shalt  }
0x65: {  	_ =	shalt  }
0x66: {  	_ =	shalt  }
0x67: {  	_ =	shalt  }
0x68: {  	_ =	shalt  }
0x69: {  	_ =	shalt  }
0x6a: {  	_ =	shalt  }
0x6b: {  	_ =	shalt  }
0x6c: {  	_ =	shalt  }
0x6d: {  	_ =	shalt  }
0x6e: {  	_ =	shalt  }
0x6f: {  	_ =	shalt  }
0x70: {  	_ =	shalt  }
0x71: {  	_ =	shalt  }
0x72: {  	_ =	shalt  }
0x73: {  	_ =	shalt  }
0x74: {  	_ =	shalt  }
0x75: {  	_ =	shalt  }
0x76: {  	_ =	shalt  }
0x77: {  	_ =	shalt  }
0x78: {  	_ =	shalt  }
0x79: {  	_ =	shalt  }
0x7a: {  	_ =	shalt  }
0x7b: {  	_ =	shalt  }
0x7c: {  	_ =	shalt  }
0x7d: {  	_ =	shalt  }
0x7e: {  	_ =	shalt  }
0x7f: {  	_ =	shalt  }
0x80: {  	_ =	shalt  }
0x81: {  	_ =	shalt  }
0x82: {  	_ =	shalt  }
0x83: {  	_ =	shalt  }
0x84: {  	_ =	shalt  }
0x85: {  	_ =	shalt  }
0x86: {  	_ =	shalt  }
0x87: {  	_ =	shalt  }
.Lfunc_end0:
.L_simem_size_0:
called_computation_lowered:
.L_overlay_start_0:
0x88: {  	s2 =	sld [smem:$0x3FD9]  }
0x89: {  	s3 =	sld [smem:$0x3FFE];
	_ =	sdelay $0x1  }
0x8a: {  	s1 =	srdreg.scid  }
0x8b: {  	s0 =	sand.u32 $0x1, s1  }
0x8c: {  	s14 =	sshll.u32 s0, $0xA;
	s2 =	sadd.s32 s3, s2  }
0x8d: {  	s2 =	sadd.s32 s2, s14  }
0x8e: {  	[smem:$0x3FC5] =	sst s2  }
0x8f: {  	_ = 	snop  }
0x90: {  	s2 =	sld [smem:$0x3FD0];
	_ =	sdelay $0x2  }
0x91: {  	s15 =	simm.s32 $0xA;
	s4 =	simm.s32 $0x10  }
0x92: {  	[smem:s4], [sflag:s15] =	dma.local [hbm:s2], $0x1  }
0x93: {  	_ =	swait.eq [sflag:s15], $0x1  }
0x94: {  	[sflag:s15] =	ssyncset.done $0x0  }
0x95: {  	[sflag:s15] =	ssyncadd.s32 $0xFFFFFFFF  }
0x96: {  	s16 =	sld [smem:$0x10];
	(tm) =	ssettm $0x1  }
0x97: {  	s17 =	sld [smem:$0x3FFB];
	_ =	sdelay $0x3  }
0x98: {  	_ =	strace s17  }
0x99: {  	s3 =	sld [smem:$0x3FFC];
	_ =	sdelay $0x3  }
0x9a: {  	_ =	strace s3  }
0x9b: {  	s3 =	sld [smem:$0x3FFD];
	_ =	sdelay $0x3  }
0x9c: {  	_ =	strace s3  }
0x9d: {  	_ =	strace $0x8FFFFFFF  }
0x9e: {  	s18 =	sld [smem:$0x3FDB];
	_ =	sdelay $0x1  }
0x9f: {  	s19 =	simm.s32 $_scs_section_size  }
0xa0: {  	s5 =	simm.s32 $_size__tile_overlayer_lowered;
	s6 =	simm.s32 $_tile_overlayer_lowered  }
0xa1: {  	s22 =	simm.s32 $0x1BFF;
	s21 =	sshll.u32 s6, $0x1;
	s3 =	sadd.s32 s19, s18  }
0xa2: {  	s7 =	simm.s32 $0x0;
	s20 =	sshll.u32 s5, $0x1;
	s5 =	sadd.s32 s21, s3  }
0xa3: {  	[timem:s7], [sflag:s22] =	dma.local [hbm:s5], s20  }
0xa4: {  	_ =	swait.ge [sflag:s22], s20  }
0xa5: {  	s4 =	ssub.s32 $0x0, s20;
	[sflag:s22] =	ssyncset.done $0x0  }
0xa6: {  	[sflag:s22] =	ssyncadd.s32 s4;
	_ =	sdelay $0x1  }
0xa7: {  	s23 =	simm.s32 $0x1B8B  }
0xa8: {  	_ =	swait.ge [sflag:s23], $0x1  }
0xa9: {  	[sflag:s23] =	ssyncset.done $0x0  }
0xaa: {  	s25 =	simm.s32 $0x1B8E;
	s24 =	sld [smem:$0x3FFE];
	[sflag:s23] =	ssyncadd.s32 $0xFFFFFFFF  }
0xab: {  	s26 =	simm.s32 $execute0_lowered;
	[smem:$0x3FD2] =	sst s25  }
0xac: {  	s5 =	sshll.u32 s26, $0x1;
	_ =	strace $0x80000046;
	[dreg:$0x1] =	wrdreg $0xFFFFFFFF  }
0xad: {  	s28 =	simm.s32 $_size_execute0_lowered;
	s3 =	sadd.s32 s3, s5;
	[dreg:$0x0] =	wrdreg $0x0  }
0xae: {  	s5 =	sshll.u32 s28, $0x1;
	[dreg:$0x2] =	wrdreg s3  }
0xaf: {  	[dreg:$0x3] =	wrdreg s5  }
0xb0: {  	[dreg:$0x4] =	wrdreg $0xC0  }
0xb1: {  	_ =	task [dreg:s7], $0x5FFFF  }
0xb2: {  	[dreg:$0x1] =	wrdreg $0xFFFFFFFF  }
0xb3: {  	[dreg:$0x0] =	wrdreg $0x60  }
0xb4: {  	[dreg:$0x2] =	wrdreg s24  }
0xb5: {  	[dreg:$0x3] =	wrdreg s16  }
0xb6: {  	[dreg:$0x4] =	wrdreg $0x9  }
0xb7: {  	_ =	task.clear_ibuf [dreg:s7], $0x5FFFF;
	_ =	strace $0x90000046  }
0xb8: {  	s29 =	simm.s32 $0x9;
	_ =	strace $0x80000048  }
0xb9: {  	_ =	swait.ge [sflag:s29], $0x1  }
0xba: {  	[sflag:s29] =	ssyncadd.s32 $0xFFFFFFFF  }
0xbb: {  	_ =	strace $0x90000048  }
0xbc: {  	_ =	sfence  }
0xbd: {  	s30 =	sld [smem:$0x0];
	_ =	sdelay $0x2  }
0xbe: {  	s31 =	sshll.u32 s1, $0xD;
	s1 =	sshrl.u32 s1, $0x2  }
0xbf: {  	s3 =	sand.u32 $0x4000, s31;
	s1 =	sadd.s32 s1, s30  }
0xc0: {  	s0 =	sor.u32 s3, s0;
	s1 =	sshll.u32 s1, $0x11  }
0xc1: {  	s0 =	sor.u32 s1, s0  }
0xc2: {  	s0 =	sadd.s32 $0x8F2B, s0  }
0xc3: {  	[sflag:s0] =	ssyncadd.remote.s32 $0x1  }
0xc4: {  	_ =	sfence.sel $0xFFFF  }
0xc5: {  	[dreg:$0x0] =	wrdreg $0xFFFFFFFF;
	(pc) =	sbr.abs _section_cstart, $3  }
0xc6: {  	[dreg:$0x1] =	wrdreg $0xFFFFFFFF  }
0xc7: {  	_ =	task.clear_ibuf [dreg:s7], $0x2FFFF;
	_ =	strace $0x9FFFFFFF  }
0xc8: {  	(tm) =	ssettm $0x7FFFFFFF  }
0xc9: {  	_ =	shalt  }
tec
execute0_lowered:
.L_overlay_start_1:
0x0: {  	(tag) =	ssettag $0x1  }
0x1: {  	s5 =	rddreg [dreg:$0x0];
	s0 =	srdreg.scid  }
0x2: {  	s14 =	rddreg [dreg:$0x1];
	s22 =	sand.u32 $0x1, s0  }
0x3: {  	s1 =	stileid.u32;
	s2 =	simm.s32 $0x0;
	s3 =	sshll.u32 s22, $0x6  }
0x4: {  	s0 =	rddreg [dreg:$0x2];
	s4 =	sshll.u32 s1, $0x7;
	s3 =	sadd.s32 s3, s5  }
0x5: {  	[smem:$0x7FF] =	sst s2;
	s3 =	sadd.s32 s4, s3  }
0x6: {  	_ =	strace $0x80000047;
	s4 =	simm.s32 $0x6;
	s3 =	sadd.s32 $0x40A00, s3  }
0x7: {  	[tilespmem:s2], [sflag:$0x6] =	stream.linear.gather [hbm4b:s3+s2], $0x200, $0x38;
	[tilespmem:$0x10200] =	vst v63  }
0x8: {  	_ =	swait.ge [sflag:s4], $0x200  }
0x9: {  	s6 =	simm.s32 $0x80;
	[sflag:s4] =	ssyncset.done $0x0  }
0xa: {  	s7 =	simm.s32 $0x200;
	s5 =	sadd.s32 $0xA00, s5;
	[sflag:s4] =	ssyncadd.s32 $0xFFFFFE00  }
0xb: {  	[tilespmem:s7], [sflag:$0x1] =	stream.indirect.gather [hbm4b:s5+s6], $0x80, s2, s6, $0xb8;
	[tilespmem:$0x10200] =	vst v63  }
0xc: {  	s8 =	simm.s32 $0x4200  }
0xd: {  	[tilespmem:s8], [sflag:$0x2] =	stream.indirect.gather [hbm4b:s5+s6], $0x80, s6, s6, $0xb8;
	[tilespmem:$0x10200] =	vst v63  }
0xe: {  	s9 =	simm.s32 $0x100;
	s10 =	simm.s32 $0x8200  }
0xf: {  	[tilespmem:s10], [sflag:$0x3] =	stream.indirect.gather [hbm4b:s5+s6], $0x80, s9, s6, $0xb8;
	[tilespmem:$0x10200] =	vst v63  }
0x10: {  	s11 =	simm.s32 $0x180;
	s12 =	simm.s32 $0xC200;
	s13 =	simm.s32 $0x1  }
0x11: {  	[tilespmem:s12], [sflag:$0x4] =	stream.indirect.gather [hbm4b:s5+s6], $0x80, s11, s6, $0xb8;
	[tilespmem:$0x10200] =	vst v63  }
0x12: {  	s15 =	sshll.u32 s1, $0xE;
	s16 =	sshll.u32 s22, $0xD;
	_ =	swait.ge [sflag:s13], $0x4000  }
0x13: {  	s15 =	sor.u32 s16, s15;
	[sflag:s13] =	ssyncset.done $0x0  }
0x14: {  	s14 =	sadd.s32 s14, s15;
	s15 =	simm.s32 $0x2;
	[sflag:s13] =	ssyncadd.s32 $0xFFFFC000  }
0x15: {  	[hbm4b:s14+s2] =	stream.linear.scatter [tilespmem:s7], [sflag:$0x5], $0x4000, $0x38;
	[tilespmem:$0x10200] =	vst v63  }
0x16: {  	_ =	swait.ge [sflag:s15], $0x4000  }
0x17: {  	[sflag:s15] =	ssyncset.done $0x0  }
0x18: {  	s17 =	simm.s32 $0x3;
	s16 =	sadd.s32 $0x800, s14;
	[sflag:s15] =	ssyncadd.s32 $0xFFFFC000  }
0x19: {  	[hbm4b:s16+s2] =	stream.linear.scatter [tilespmem:s8], [sflag:$0x5], $0x4000, $0x38;
	[tilespmem:$0x10200] =	vst v63  }
0x1a: {  	_ =	swait.ge [sflag:s17], $0x4000  }
0x1b: {  	[sflag:s17] =	ssyncset.done $0x0  }
0x1c: {  	s19 =	simm.s32 $0x4;
	s18 =	sadd.s32 $0x1000, s14;
	[sflag:s17] =	ssyncadd.s32 $0xFFFFC000  }
0x1d: {  	[hbm4b:s18+s2] =	stream.linear.scatter [tilespmem:s10], [sflag:$0x5], $0x4000, $0x38;
	[tilespmem:$0x10200] =	vst v63  }
0x1e: {  	_ =	swait.ge [sflag:s19], $0x4000  }
0x1f: {  	[sflag:s19] =	ssyncset.done $0x0  }
0x20: {  	s20 =	simm.s32 $0x5;
	s21 =	sadd.s32 $0x1800, s14;
	[sflag:s19] =	ssyncadd.s32 $0xFFFFC000  }
0x21: {  	[hbm4b:s21+s2] =	stream.linear.scatter [tilespmem:s12], [sflag:$0x5], $0x4000, $0x38;
	[tilespmem:$0x10200] =	vst v63  }
0x22: {  	_ =	swait.ge [sflag:s20], $0x4000  }
0x23: {  	s22 =	ssub.s32 $0x2, s22;
	[sflag:s20] =	ssyncset.done $0x0  }
0x24: {  	s23 =	sshrl.u32 s22, $0x1;
	[sflag:s20] =	ssyncadd.s32 $0xFFFFC000  }
0x25: {  	s22 =	ssub.s32 s22, s23;
	_ =	swait.ge [sflag:s20], $0x4000  }
0x26: {  	s22 =	smax.u32 s22, $0x1;
	[sflag:s20] =	ssyncset.done $0x0  }
0x27: {  	p0 =	sne.s32 s22, $0x1;
	[sflag:s20] =	ssyncadd.s32 $0xFFFFC000  }
.Ltmp0:
0x28: {  	_ =	swait.ge [sflag:s20], $0x4000;
	(pc) =	sbr.rel @!p0 .LBB2_2-.Ltmp0, $4  }
0x29: {  	[sflag:s20] =	ssyncset.done $0x0  }
0x2a: {  	[sflag:s20] =	ssyncadd.s32 $0xFFFFC000  }
0x2b: {  	_ =	swait.ge [sflag:s20], $0x4000  }
0x2c: {  	s22 =	sadd.s32 $0xFFFFFFFF, s22;
	[sflag:s20] =	ssyncset.done $0x0  }
.LBB2_1:
0x2d: {  	p0 =	sne.s32 s22, $0x1;
	s22 =	sadd.s32 $0xFFFFFFFF, s22;
	[sflag:s20] =	ssyncadd.s32 $0xFFFFC000  }
0x2e: {  	[tilespmem:s2], [sflag:$0x6] =	stream.linear.gather [hbm4b:s3+s2], $0x200, $0x38;
	[tilespmem:$0x10200] =	vst v63  }
0x2f: {  	_ =	swait.ge [sflag:s4], $0x200  }
0x30: {  	[sflag:s4] =	ssyncset.done $0x0  }
0x31: {  	[sflag:s4] =	ssyncadd.s32 $0xFFFFFE00  }
0x32: {  	[tilespmem:s7], [sflag:$0x1] =	stream.indirect.gather [hbm4b:s5+s6], $0x80, s2, s6, $0xb8;
	[tilespmem:$0x10200] =	vst v63  }
0x33: {  	_ = 	snop  }
0x34: {  	[tilespmem:s8], [sflag:$0x2] =	stream.indirect.gather [hbm4b:s5+s6], $0x80, s6, s6, $0xb8;
	[tilespmem:$0x10200] =	vst v63  }
0x35: {  	_ = 	snop  }
0x36: {  	[tilespmem:s10], [sflag:$0x3] =	stream.indirect.gather [hbm4b:s5+s6], $0x80, s9, s6, $0xb8;
	[tilespmem:$0x10200] =	vst v63  }
0x37: {  	_ = 	snop  }
0x38: {  	[tilespmem:s12], [sflag:$0x4] =	stream.indirect.gather [hbm4b:s5+s6], $0x80, s11, s6, $0xb8;
	[tilespmem:$0x10200] =	vst v63  }
0x39: {  	_ =	swait.ge [sflag:s13], $0x4000  }
0x3a: {  	[sflag:s13] =	ssyncset.done $0x0  }
0x3b: {  	[sflag:s13] =	ssyncadd.s32 $0xFFFFC000  }
0x3c: {  	[hbm4b:s14+s2] =	stream.linear.scatter [tilespmem:s7], [sflag:$0x5], $0x4000, $0x38;
	[tilespmem:$0x10200] =	vst v63  }
0x3d: {  	_ =	swait.ge [sflag:s15], $0x4000  }
0x3e: {  	[sflag:s15] =	ssyncset.done $0x0  }
0x3f: {  	[sflag:s15] =	ssyncadd.s32 $0xFFFFC000  }
0x40: {  	[hbm4b:s16+s2] =	stream.linear.scatter [tilespmem:s8], [sflag:$0x5], $0x4000, $0x38;
	[tilespmem:$0x10200] =	vst v63  }
0x41: {  	_ =	swait.ge [sflag:s17], $0x4000  }
0x42: {  	[sflag:s17] =	ssyncset.done $0x0  }
0x43: {  	[sflag:s17] =	ssyncadd.s32 $0xFFFFC000  }
0x44: {  	[hbm4b:s18+s2] =	stream.linear.scatter [tilespmem:s10], [sflag:$0x5], $0x4000, $0x38;
	[tilespmem:$0x10200] =	vst v63  }
0x45: {  	_ =	swait.ge [sflag:s19], $0x4000  }
0x46: {  	[sflag:s19] =	ssyncset.done $0x0  }
0x47: {  	[sflag:s19] =	ssyncadd.s32 $0xFFFFC000  }
0x48: {  	[hbm4b:s21+s2] =	stream.linear.scatter [tilespmem:s12], [sflag:$0x5], $0x4000, $0x38;
	[tilespmem:$0x10200] =	vst v63  }
0x49: {  	_ =	swait.ge [sflag:s20], $0x4000  }
0x4a: {  	[sflag:s20] =	ssyncset.done $0x0  }
0x4b: {  	[sflag:s20] =	ssyncadd.s32 $0xFFFFC000  }
0x4c: {  	_ =	swait.ge [sflag:s20], $0x4000  }
0x4d: {  	[sflag:s20] =	ssyncset.done $0x0  }
0x4e: {  	[sflag:s20] =	ssyncadd.s32 $0xFFFFC000  }
.Ltmp1:
0x4f: {  	_ =	swait.ge [sflag:s20], $0x4000;
	(pc) =	sbr.rel @p0 .LBB2_1-.Ltmp1, $4  }
0x50: {  	[sflag:s20] =	ssyncset.done $0x0  }
0x51: {  	[sflag:s20] =	ssyncadd.s32 $0xFFFFC000  }
0x52: {  	_ =	swait.ge [sflag:s20], $0x4000  }
0x53: {  	[sflag:s20] =	ssyncset.done $0x0  }
.LBB2_2:
0x54: {  	[sflag:s20] =	ssyncadd.s32 $0xFFFFC000  }
0x55: {  	_ =	sfence.sel $0x180000  }
0x56: {  	[bflag:$0x0] =	sbarrier.arrive $0xFFFF  }
0x57: {  	p0 =	sne.s32 s1, $0x0;
	_ =	strace $0x90000047  }
0x58: {  	s0 =	sadd.s32 @!p0 $0x100000, s0;
	[bflag:$0x2] =	sbarrier.arrive $0xFFFF  }
0x59: {  	[sflag:s0] =	ssyncadd.tile.s32 @!p0 $0x1;
	_ =	shalt  }
.Lfunc_end2:
_tile_overlayer_lowered:
.L_overlay_start_2:
0x5a: {  	(tag) =	ssettag $0x2  }
0x5b: {  	s0 =	rddreg [dreg:$0x0];
	s2 =	stileid.u32  }
0x5c: {  	s1 =	rddreg [dreg:$0x1];
	p0 =	sne.s32 s2, $0x0  }
0x5d: {  	s3 =	rddreg [dreg:$0x2];
	[bflag:$0x3] =	sbarrier.arrive $0xFFFF;
	s2 =	simm.s32 @!p0 $0x1C06  }
0x5e: {  	[timem:s3], [sflag:s2] =	dma.local @!p0 [hbm:s0], s1  }
0x5f: {  	s0 =	simm.s32 @!p0 $0x6  }
0x60: {  	_ =	swait.ge @!p0 [sflag:s0], s1  }
0x61: {  	s1 =	ssub.s32 @!p0 $0x0, s1;
	[sflag:s0] =	ssyncset.done @!p0 $0x0  }
0x62: {  	[sflag:s0] =	ssyncadd.s32 @!p0 s1  }
0x63: {  	[bflag:$0x3] =	sbarrier.arrive $0xFFFF  }
0x64: {  	_ =	shalt  }

</sc_bundles>
